<compile_context>
chip_gen: v7x
topology: tpu7x:2x2x1
jax: 0.10.2.dev20260603
libtpu: 0.0.44.dev20260713+nightly
codegen_flags: <defaults>
</compile_context>

<pallas_src>
import jax
import jax.numpy as jnp
import numpy as np
from jax import lax
from jax.experimental import pallas as pl
from jax.experimental.pallas import tpu as pltpu
from jax.experimental.pallas import tpu_sc as plsc

N_NODES = 10000
N_PAD = 10240
N_EDGES = 320000
HIDDEN = 128
NUM_RBF = 16
CUTOFF_UPPER = 5.0

NC = 2
NS = 16
NW = NC * NS
EDGES_PER_W = N_EDGES // NW
EB = 40
NBLK = EDGES_PER_W // EB
ROWS_PER_TILE = N_PAD // NS


def _silu(v):
    return v * (1.0 / (1.0 + jnp.exp(-v)))


def _filter_body(eat_ref, w1t_ref, b1_ref, w2t_ref, b2_ref, o_ref):
    eat = eat_ref[...]
    h = lax.dot_general(eat, w1t_ref[...], (((0,), (0,)), ((), ())),
                        preferred_element_type=jnp.float32)
    h = h + b1_ref[...]
    h = _silu(h)
    w = jnp.dot(h, w2t_ref[...], preferred_element_type=jnp.float32)
    o_ref[...] = w + b2_ref[...]


def _filter_w(eat, w1t, b1, w2t, b2):
    BE = 3200
    grid = N_EDGES // BE
    return pl.pallas_call(
        _filter_body,
        grid=(grid,),
        in_specs=[
            pl.BlockSpec((NUM_RBF, BE), lambda i: (0, i)),
            pl.BlockSpec((NUM_RBF, HIDDEN), lambda i: (0, 0)),
            pl.BlockSpec((1, HIDDEN), lambda i: (0, 0)),
            pl.BlockSpec((HIDDEN, HIDDEN), lambda i: (0, 0)),
            pl.BlockSpec((1, HIDDEN), lambda i: (0, 0)),
        ],
        out_specs=pl.BlockSpec((BE, HIDDEN), lambda i: (i, 0)),
        out_shape=jax.ShapeDtypeStruct((N_EDGES, HIDDEN), jnp.float32),
    )(eat, w1t, b1, w2t, b2)


def _cutoff_body(ew_ref, c_ref):
    ew = ew_ref[...]
    c = 0.5 * (jnp.cos(ew * (np.pi / CUTOFF_UPPER)) + 1.0)
    c_ref[...] = c * (ew < CUTOFF_UPPER).astype(jnp.float32)


def _cutoff(edge_weight):
    return pl.pallas_call(
        _cutoff_body,
        out_shape=jax.ShapeDtypeStruct((N_EDGES,), jnp.float32),
    )(edge_weight)


def _xh_body(x_ref, wt_ref, o_ref):
    o_ref[...] = jnp.dot(x_ref[...], wt_ref[...],
                         preferred_element_type=jnp.float32)


def _xh(x, lin1t):
    BN = 2000
    grid = N_NODES // BN
    return pl.pallas_call(
        _xh_body,
        grid=(grid,),
        in_specs=[
            pl.BlockSpec((BN, HIDDEN), lambda i: (i, 0)),
            pl.BlockSpec((HIDDEN, HIDDEN), lambda i: (0, 0)),
        ],
        out_specs=pl.BlockSpec((BN, HIDDEN), lambda i: (i, 0)),
        out_shape=jax.ShapeDtypeStruct((N_NODES, HIDDEN), jnp.float32),
    )(x, lin1t)


def _sc_body(xh_hbm, w_hbm, c_hbm, src_hbm, dst_hbm, out_hbm, cnt_hbm,
             acc, cnt, sv0, sv1, dv0, dv1, cv0, cv1, xj0, xj1, wv, msg,
             ones_v, zbuf, zcnt, si0, si1, sg0, sg1, sem_w):
    c = lax.axis_index("c")
    s = lax.axis_index("s")
    wid = c * NS + s

    @pl.loop(0, 128)
    def _zb(j):
        for k in range(8):
            zbuf[j, pl.ds(k * 16, 16)] = jnp.zeros((16,), jnp.float32)

    @pl.loop(0, ROWS_PER_TILE // 16)
    def _zc(j):
        zcnt[pl.ds(j * 16, 16)] = jnp.zeros((16,), jnp.float32)

    for o in (0, 16, EB - 16):
        ones_v[pl.ds(o, 16)] = jnp.ones((16,), jnp.float32)

    for b in range(ROWS_PER_TILE // 128):
        pltpu.sync_copy(zbuf, acc.at[pl.ds(s * ROWS_PER_TILE + b * 128, 128)])
    pltpu.sync_copy(zcnt, cnt.at[pl.ds(s * ROWS_PER_TILE, ROWS_PER_TILE)])

    plsc.subcore_barrier()

    base = wid * EDGES_PER_W

    idx_a = (sv0, dv0, cv0, si0)
    idx_b = (sv1, dv1, cv1, si1)

    def issue_idx(i, ib):
        sv, dv, cv, si = ib
        off = base + i * EB
        pltpu.async_copy(src_hbm.at[pl.ds(off, EB)], sv, si)
        pltpu.async_copy(dst_hbm.at[pl.ds(off, EB)], dv, si)
        pltpu.async_copy(c_hbm.at[pl.ds(off, EB)], cv.at[pl.ds(0, EB)], si)

    def wait_idx(ib):
        sv, dv, cv, si = ib
        pltpu.make_async_copy(src_hbm.at[pl.ds(0, EB)], sv, si).wait()
        pltpu.make_async_copy(dst_hbm.at[pl.ds(0, EB)], dv, si).wait()
        pltpu.make_async_copy(c_hbm.at[pl.ds(0, EB)],
                              cv.at[pl.ds(0, EB)], si).wait()

    def mul_block(i, xj, ib):
        sv, dv, cv, _ = ib
        off = i * EB

        @pl.loop(0, EB)
        def _mul(j):
            cj = cv[pl.ds(j, 16)][0]
            for k in range(8):
                sl = pl.ds(k * 16, 16)
                msg[j, sl] = xj[j, sl] * wv[j, sl] * cj

        pltpu.sync_copy(msg, acc.at[dv], add=True)
        pltpu.sync_copy(ones_v, cnt.at[dv], add=True)

    issue_idx(0, idx_a)
    issue_idx(1, idx_b)
    wait_idx(idx_a)
    g0 = pltpu.async_copy(xh_hbm.at[sv0], xj0, sg0)
    w0 = pltpu.async_copy(w_hbm.at[pl.ds(base, EB)], wv, sem_w)
    g0.wait()
    w0.wait()

    @pl.loop(0, NBLK // 2 - 1)
    def _pair(p):
        wait_idx(idx_b)
        gb = pltpu.async_copy(xh_hbm.at[sv1], xj1, sg1)
        mul_block(2 * p, xj0, idx_a)
        wb = pltpu.async_copy(w_hbm.at[pl.ds(base + (2 * p + 1) * EB, EB)],
                              wv, sem_w)
        issue_idx(2 * p + 2, idx_a)
        gb.wait()
        wb.wait()
        wait_idx(idx_a)
        ga = pltpu.async_copy(xh_hbm.at[sv0], xj0, sg0)
        mul_block(2 * p + 1, xj1, idx_b)
        wa = pltpu.async_copy(w_hbm.at[pl.ds(base + (2 * p + 2) * EB, EB)],
                              wv, sem_w)
        issue_idx(2 * p + 3, idx_b)
        ga.wait()
        wa.wait()

    wait_idx(idx_b)
    gb = pltpu.async_copy(xh_hbm.at[sv1], xj1, sg1)
    mul_block(NBLK - 2, xj0, idx_a)
    wb = pltpu.async_copy(w_hbm.at[pl.ds(base + (NBLK - 1) * EB, EB)],
                          wv, sem_w)
    gb.wait()
    wb.wait()
    mul_block(NBLK - 1, xj1, idx_b)

    plsc.subcore_barrier()
    pltpu.sync_copy(acc.at[pl.ds(s * ROWS_PER_TILE, ROWS_PER_TILE)],
                    out_hbm.at[c, pl.ds(s * ROWS_PER_TILE, ROWS_PER_TILE)])
    pltpu.sync_copy(cnt.at[pl.ds(s * ROWS_PER_TILE, ROWS_PER_TILE)],
                    cnt_hbm.at[c, pl.ds(s * ROWS_PER_TILE, ROWS_PER_TILE)])


def _sc_msg(xh, w, cearr, src, dst):
    mesh = plsc.VectorSubcoreMesh(core_axis_name="c", subcore_axis_name="s",
                                  num_cores=NC, num_subcores=NS)
    fn = pl.kernel(
        _sc_body,
        out_type=[
            jax.ShapeDtypeStruct((NC, N_PAD, HIDDEN), jnp.float32),
            jax.ShapeDtypeStruct((NC, N_PAD), jnp.float32),
        ],
        mesh=mesh,
        scratch_types=[
            pltpu.VMEM_SHARED((N_PAD, HIDDEN), jnp.float32),
            pltpu.VMEM_SHARED((N_PAD,), jnp.float32),
            pltpu.VMEM((EB,), jnp.int32),
            pltpu.VMEM((EB,), jnp.int32),
            pltpu.VMEM((EB,), jnp.int32),
            pltpu.VMEM((EB,), jnp.int32),
            pltpu.VMEM((EB + 16,), jnp.float32),
            pltpu.VMEM((EB + 16,), jnp.float32),
            pltpu.VMEM((EB, HIDDEN), jnp.float32),
            pltpu.VMEM((EB, HIDDEN), jnp.float32),
            pltpu.VMEM((EB, HIDDEN), jnp.float32),
            pltpu.VMEM((EB, HIDDEN), jnp.float32),
            pltpu.VMEM((EB,), jnp.float32),
            pltpu.VMEM((128, HIDDEN), jnp.float32),
            pltpu.VMEM((ROWS_PER_TILE,), jnp.float32),
            pltpu.SemaphoreType.DMA,
            pltpu.SemaphoreType.DMA,
            pltpu.SemaphoreType.DMA,
            pltpu.SemaphoreType.DMA,
            pltpu.SemaphoreType.DMA,
        ],
    )
    return fn(xh, w, cearr, src, dst)


def _tail_body(agg_ref, cnt_ref, l2t_ref, l2b_ref, lt_ref, lb_ref, o_ref):
    ssum = agg_ref[0] + agg_ref[1]
    cnt = cnt_ref[...]
    denom = jnp.where(cnt > 0, cnt, 1.0)
    agg = ssum / denom
    t = jnp.dot(agg, l2t_ref[...], preferred_element_type=jnp.float32)
    t = t + l2b_ref[...]
    t = _silu(t)
    o = jnp.dot(t, lt_ref[...], preferred_element_type=jnp.float32)
    o_ref[...] = o + lb_ref[...]


def _tail(agg2, cnt1, lin2t, lin2_b2, lint, lin_b2):
    BN = 2000
    grid = N_NODES // BN
    return pl.pallas_call(
        _tail_body,
        grid=(grid,),
        in_specs=[
            pl.BlockSpec((NC, BN, HIDDEN), lambda i: (0, i, 0)),
            pl.BlockSpec((BN, 1), lambda i: (i, 0)),
            pl.BlockSpec((HIDDEN, HIDDEN), lambda i: (0, 0)),
            pl.BlockSpec((1, HIDDEN), lambda i: (0, 0)),
            pl.BlockSpec((HIDDEN, HIDDEN), lambda i: (0, 0)),
            pl.BlockSpec((1, HIDDEN), lambda i: (0, 0)),
        ],
        out_specs=pl.BlockSpec((BN, HIDDEN), lambda i: (i, 0)),
        out_shape=jax.ShapeDtypeStruct((N_NODES, HIDDEN), jnp.float32),
    )(agg2, cnt1, lin2t, lin2_b2, lint, lin_b2)


def kernel(x, edge_index, edge_weight, edge_attr,
           mlp_w1, mlp_b1, mlp_w2, mlp_b2,
           lin1_w, lin2_w, lin2_b, lin_w, lin_b):
    src = edge_index[0].astype(jnp.int32)
    dst = edge_index[1].astype(jnp.int32)

    eat = edge_attr.T
    w1t = mlp_w1.T
    w2t = mlp_w2.T
    lin1t = lin1_w.T
    lin2t = lin2_w.T
    lint = lin_w.T
    b1 = mlp_b1.reshape(1, HIDDEN)
    b2 = mlp_b2.reshape(1, HIDDEN)
    lin2_b2 = lin2_b.reshape(1, HIDDEN)
    lin_b2 = lin_b.reshape(1, HIDDEN)

    w = _filter_w(eat, w1t, b1, w2t, b2)
    cearr = _cutoff(edge_weight)
    xh = _xh(x, lin1t)

    agg2, cnt2 = _sc_msg(xh, w, cearr, src, dst)

    cnt1 = (cnt2[0] + cnt2[1])[:N_NODES].reshape(N_NODES, 1)
    return _tail(agg2, cnt1, lin2t, lin2_b2, lint, lin_b2)

# --- scband reference (transcript-rebuilt; emitter-appended) ---
"""Pipeline reference for scband-interaction-block-50714973831856 (READ-ONLY COPY).

The authoritative reference and input builder live on the scoring server;
editing this copy changes nothing except your own understanding.
"""

import jax, jax.numpy as jnp
import numpy as np

N_NODES = 10000
N_EDGES = 320000
HIDDEN = 128
NUM_RBF = 16
NUM_FILTERS = 128
CUTOFF_UPPER = 5.0


def silu(x):
    return x * jax.nn.sigmoid(x)


def setup_inputs(seed: int = 0) -> dict:
    key = jax.random.key(seed)
    ks = jax.random.split(key, 16)
    x = jax.random.normal(ks[0], (N_NODES, HIDDEN), dtype=jnp.float32)
    edge_index = jax.random.randint(ks[1], (2, N_EDGES), 0, N_NODES, dtype=jnp.int64)
    edge_weight = jax.random.uniform(ks[2], (N_EDGES,), dtype=jnp.float32)
    edge_attr = jax.random.normal(ks[3], (N_EDGES, NUM_RBF), dtype=jnp.float32)
    s = 0.08
    mlp_w1 = jax.random.normal(ks[4], (NUM_FILTERS, NUM_RBF), dtype=jnp.float32) * s
    mlp_b1 = jnp.zeros((NUM_FILTERS,), dtype=jnp.float32)
    mlp_w2 = jax.random.normal(ks[5], (NUM_FILTERS, NUM_FILTERS), dtype=jnp.float32) * s
    mlp_b2 = jnp.zeros((NUM_FILTERS,), dtype=jnp.float32)
    lin1_w = jax.random.normal(ks[6], (NUM_FILTERS, HIDDEN), dtype=jnp.float32) * s
    lin2_w = jax.random.normal(ks[7], (HIDDEN, NUM_FILTERS), dtype=jnp.float32) * s
    lin2_b = jnp.zeros((HIDDEN,), dtype=jnp.float32)
    lin_w = jax.random.normal(ks[8], (HIDDEN, HIDDEN), dtype=jnp.float32) * s
    lin_b = jnp.zeros((HIDDEN,), dtype=jnp.float32)
    return {
        'x': x, 'edge_index': edge_index, 'edge_weight': edge_weight, 'edge_attr': edge_attr,
        'mlp_w1': mlp_w1, 'mlp_b1': mlp_b1, 'mlp_w2': mlp_w2, 'mlp_b2': mlp_b2,
        'lin1_w': lin1_w, 'lin2_w': lin2_w, 'lin2_b': lin2_b, 'lin_w': lin_w, 'lin_b': lin_b,
    }


def reference(x, edge_index, edge_weight, edge_attr,
              mlp_w1, mlp_b1, mlp_w2, mlp_b2,
              lin1_w, lin2_w, lin2_b, lin_w, lin_b):
    src = edge_index[0]
    dst = edge_index[1]
    # CosineCutoff (cutoff_lower == 0)
    C = 0.5 * (jnp.cos(edge_weight * np.pi / CUTOFF_UPPER) + 1.0)
    C = C * (edge_weight < CUTOFF_UPPER).astype(jnp.float32)
    # filter-generating MLP on edge_attr
    h = edge_attr @ mlp_w1.T + mlp_b1
    h = silu(h)
    W = h @ mlp_w2.T + mlp_b2
    W = W * C[:, None]
    # CFConv: lin1 -> gather -> message -> mean-aggregate -> lin2
    xh = x @ lin1_w.T
    x_j = jnp.take(xh, src, axis=0)
    msg = x_j * W
    agg_sum = jax.ops.segment_sum(msg, dst, num_segments=N_NODES)
    counts = jax.ops.segment_sum(jnp.ones((msg.shape[0],), dtype=jnp.float32), dst, num_segments=N_NODES)
    denom = jnp.where(counts > 0, counts, 1.0)
    agg = agg_sum / denom[:, None]
    out = agg @ lin2_w.T + lin2_b
    # InteractionBlock tail: act + lin
    out = silu(out)
    out = out @ lin_w.T + lin_b
    return out

if __name__ == "__main__":
    import jax
    _d = setup_inputs()
    print(jax.jit(kernel)(*tuple(_d.values())))

</pallas_src>

<mosaic_0001>
#map = affine_map<(d0, d1) -> (0, 0)>
#map1 = affine_map<(d0, d1) -> (0)>
#map2 = affine_map<(d0, d1) -> (0, 0, 0)>
module attributes {stable_mosaic.version = 14 : i64} {
  func.func @_sc_body(%arg0: i32, %arg1: i32, %arg2: memref<10000x128xf32, #tpu.memory_space<hbm>>, %arg3: memref<320000x128xf32, #tpu.memory_space<hbm>>, %arg4: memref<320000xf32, #tpu.memory_space<hbm>>, %arg5: memref<320000xi32, #tpu.memory_space<hbm>>, %arg6: memref<320000xi32, #tpu.memory_space<hbm>>, %arg7: memref<2x10240x128xf32, #tpu.memory_space<hbm>>, %arg8: memref<2x10240xf32, #tpu.memory_space<hbm>>, %arg9: memref<10240x128xf32, #tpu.memory_space<vmem_shared>>, %arg10: memref<10240xf32, #tpu.memory_space<vmem_shared>>, %arg11: memref<40xi32, #tpu.memory_space<vmem>>, %arg12: memref<40xi32, #tpu.memory_space<vmem>>, %arg13: memref<40xi32, #tpu.memory_space<vmem>>, %arg14: memref<40xi32, #tpu.memory_space<vmem>>, %arg15: memref<56xf32, #tpu.memory_space<vmem>>, %arg16: memref<56xf32, #tpu.memory_space<vmem>>, %arg17: memref<40x128xf32, #tpu.memory_space<vmem>>, %arg18: memref<40x128xf32, #tpu.memory_space<vmem>>, %arg19: memref<40x128xf32, #tpu.memory_space<vmem>>, %arg20: memref<40x128xf32, #tpu.memory_space<vmem>>, %arg21: memref<40xf32, #tpu.memory_space<vmem>>, %arg22: memref<128x128xf32, #tpu.memory_space<vmem>>, %arg23: memref<640xf32, #tpu.memory_space<vmem>>, %arg24: memref<!tpu.dma_semaphore, #tpu.memory_space<semaphore_mem>>, %arg25: memref<!tpu.dma_semaphore, #tpu.memory_space<semaphore_mem>>, %arg26: memref<!tpu.dma_semaphore, #tpu.memory_space<semaphore_mem>>, %arg27: memref<!tpu.dma_semaphore, #tpu.memory_space<semaphore_mem>>, %arg28: memref<!tpu.dma_semaphore, #tpu.memory_space<semaphore_mem>>) attributes {dimension_semantics = [#tpu.dimension_semantics<core_parallel>, #tpu.dimension_semantics<subcore_parallel>], iteration_bounds = array<i64: 2, 16>, scalar_prefetch = 0 : i64, scratch_operands = 20 : i64, tpu.core_type = #tpu.core_type<sc_vector_subcore>, window_params = [{transform_indices = #map}, {transform_indices = #map}, {transform_indices = #map1}, {transform_indices = #map1}, {transform_indices = #map1}, {transform_indices = #map2}, {transform_indices = #map}]} {
    %mul3A = arith.constant 16 : i32
    %mul3A_0 = arith.muli %arg0, %mul3A : i32
    %add3A = arith.addi %mul3A_0, %arg1 : i32
    %scan3A = arith.constant 0 : i32
    %scan3A_1 = arith.constant 128 : i32
    %scan3A_2 = arith.addi %scan3A, %scan3A_1 : i32
    %scan3A_3 = arith.constant 1 : i32
    scf.for %scan3A_158 = %scan3A to %scan3A_2 step %scan3A_3  : i32 {
      %mul3A_159 = arith.constant 1 : i32
      %mul3A_160 = arith.muli %scan3A_158, %mul3A_159 : i32
      %add3A_161 = arith.constant 0 : i32
      %add3A_162 = arith.addi %add3A_161, %mul3A_160 : i32
      %broadcast_in_dim3A_163 = arith.constant 0.000000e+00 : f32
      %broadcast_in_dim3A_164 = vector.broadcast %broadcast_in_dim3A_163 : f32 to vector<16xf32>
      %swap3A_165 = arith.index_cast %add3A_162 : i32 to index
      %swap3A_166 = arith.constant 0 : index
      %swap3A_167 = tpu.vector_load %arg22[%swap3A_165, %swap3A_166] {strides = array<i32>} : memref<128x128xf32, #tpu.memory_space<vmem>>, vector<1x16xf32>,
      %swap3A_168 = vector.shape_cast %swap3A_167 : vector<1x16xf32> to vector<16xf32>
      %swap3A_169 = vector.shape_cast %broadcast_in_dim3A_164 : vector<16xf32> to vector<1x16xf32>
      tpu.vector_store %arg22[%swap3A_165, %swap3A_166], %swap3A_169 {strides = array<i32>} : memref<128x128xf32, #tpu.memory_space<vmem>>, vector<1x16xf32>,
      %broadcast_in_dim3A_170 = arith.constant 0.000000e+00 : f32
      %broadcast_in_dim3A_171 = vector.broadcast %broadcast_in_dim3A_170 : f32 to vector<16xf32>
      %swap3A_172 = arith.index_cast %add3A_162 : i32 to index
      %swap3A_173 = arith.constant 16 : index
      %swap3A_174 = tpu.vector_load %arg22[%swap3A_172, %swap3A_173] {strides = array<i32>} : memref<128x128xf32, #tpu.memory_space<vmem>>, vector<1x16xf32>,
      %swap3A_175 = vector.shape_cast %swap3A_174 : vector<1x16xf32> to vector<16xf32>
      %swap3A_176 = vector.shape_cast %broadcast_in_dim3A_171 : vector<16xf32> to vector<1x16xf32>
      tpu.vector_store %arg22[%swap3A_172, %swap3A_173], %swap3A_176 {strides = array<i32>} : memref<128x128xf32, #tpu.memory_space<vmem>>, vector<1x16xf32>,
      %broadcast_in_dim3A_177 = arith.constant 0.000000e+00 : f32
      %broadcast_in_dim3A_178 = vector.broadcast %broadcast_in_dim3A_177 : f32 to vector<16xf32>
      %swap3A_179 = arith.index_cast %add3A_162 : i32 to index
      %swap3A_180 = arith.constant 32 : index
      %swap3A_181 = tpu.vector_load %arg22[%swap3A_179, %swap3A_180] {strides = array<i32>} : memref<128x128xf32, #tpu.memory_space<vmem>>, vector<1x16xf32>,
      %swap3A_182 = vector.shape_cast %swap3A_181 : vector<1x16xf32> to vector<16xf32>
      %swap3A_183 = vector.shape_cast %broadcast_in_dim3A_178 : vector<16xf32> to vector<1x16xf32>
      tpu.vector_store %arg22[%swap3A_179, %swap3A_180], %swap3A_183 {strides = array<i32>} : memref<128x128xf32, #tpu.memory_space<vmem>>, vector<1x16xf32>,
      %broadcast_in_dim3A_184 = arith.constant 0.000000e+00 : f32
      %broadcast_in_dim3A_185 = vector.broadcast %broadcast_in_dim3A_184 : f32 to vector<16xf32>
      %swap3A_186 = arith.index_cast %add3A_162 : i32 to index
      %swap3A_187 = arith.constant 48 : index
      %swap3A_188 = tpu.vector_load %arg22[%swap3A_186, %swap3A_187] {strides = array<i32>} : memref<128x128xf32, #tpu.memory_space<vmem>>, vector<1x16xf32>,
      %swap3A_189 = vector.shape_cast %swap3A_188 : vector<1x16xf32> to vector<16xf32>
      %swap3A_190 = vector.shape_cast %broadcast_in_dim3A_185 : vector<16xf32> to vector<1x16xf32>
      tpu.vector_store %arg22[%swap3A_186, %swap3A_187], %swap3A_190 {strides = array<i32>} : memref<128x128xf32, #tpu.memory_space<vmem>>, vector<1x16xf32>,
      %broadcast_in_dim3A_191 = arith.constant 0.000000e+00 : f32
      %broadcast_in_dim3A_192 = vector.broadcast %broadcast_in_dim3A_191 : f32 to vector<16xf32>
      %swap3A_193 = arith.index_cast %add3A_162 : i32 to index
      %swap3A_194 = arith.constant 64 : index
      %swap3A_195 = tpu.vector_load %arg22[%swap3A_193, %swap3A_194] {strides = array<i32>} : memref<128x128xf32, #tpu.memory_space<vmem>>, vector<1x16xf32>,
      %swap3A_196 = vector.shape_cast %swap3A_195 : vector<1x16xf32> to vector<16xf32>
      %swap3A_197 = vector.shape_cast %broadcast_in_dim3A_192 : vector<16xf32> to vector<1x16xf32>
      tpu.vector_store %arg22[%swap3A_193, %swap3A_194], %swap3A_197 {strides = array<i32>} : memref<128x128xf32, #tpu.memory_space<vmem>>, vector<1x16xf32>,
      %broadcast_in_dim3A_198 = arith.constant 0.000000e+00 : f32
      %broadcast_in_dim3A_199 = vector.broadcast %broadcast_in_dim3A_198 : f32 to vector<16xf32>
      %swap3A_200 = arith.index_cast %add3A_162 : i32 to index
      %swap3A_201 = arith.constant 80 : index
      %swap3A_202 = tpu.vector_load %arg22[%swap3A_200, %swap3A_201] {strides = array<i32>} : memref<128x128xf32, #tpu.memory_space<vmem>>, vector<1x16xf32>,
      %swap3A_203 = vector.shape_cast %swap3A_202 : vector<1x16xf32> to vector<16xf32>
      %swap3A_204 = vector.shape_cast %broadcast_in_dim3A_199 : vector<16xf32> to vector<1x16xf32>
      tpu.vector_store %arg22[%swap3A_200, %swap3A_201], %swap3A_204 {strides = array<i32>} : memref<128x128xf32, #tpu.memory_space<vmem>>, vector<1x16xf32>,
      %broadcast_in_dim3A_205 = arith.constant 0.000000e+00 : f32
      %broadcast_in_dim3A_206 = vector.broadcast %broadcast_in_dim3A_205 : f32 to vector<16xf32>
      %swap3A_207 = arith.index_cast %add3A_162 : i32 to index
      %swap3A_208 = arith.constant 96 : index
      %swap3A_209 = tpu.vector_load %arg22[%swap3A_207, %swap3A_208] {strides = array<i32>} : memref<128x128xf32, #tpu.memory_space<vmem>>, vector<1x16xf32>,
      %swap3A_210 = vector.shape_cast %swap3A_209 : vector<1x16xf32> to vector<16xf32>
      %swap3A_211 = vector.shape_cast %broadcast_in_dim3A_206 : vector<16xf32> to vector<1x16xf32>
      tpu.vector_store %arg22[%swap3A_207, %swap3A_208], %swap3A_211 {strides = array<i32>} : memref<128x128xf32, #tpu.memory_space<vmem>>, vector<1x16xf32>,
      %broadcast_in_dim3A_212 = arith.constant 0.000000e+00 : f32
      %broadcast_in_dim3A_213 = vector.broadcast %broadcast_in_dim3A_212 : f32 to vector<16xf32>
      %swap3A_214 = arith.index_cast %add3A_162 : i32 to index
      %swap3A_215 = arith.constant 112 : index
      %swap3A_216 = tpu.vector_load %arg22[%swap3A_214, %swap3A_215] {strides = array<i32>} : memref<128x128xf32, #tpu.memory_space<vmem>>, vector<1x16xf32>,
      %swap3A_217 = vector.shape_cast %swap3A_216 : vector<1x16xf32> to vector<16xf32>
      %swap3A_218 = vector.shape_cast %broadcast_in_dim3A_213 : vector<16xf32> to vector<1x16xf32>
      tpu.vector_store %arg22[%swap3A_214, %swap3A_215], %swap3A_218 {strides = array<i32>} : memref<128x128xf32, #tpu.memory_space<vmem>>, vector<1x16xf32>,
    }
    %scan3A_4 = arith.constant 128 : i32
    %scan3A_5 = arith.constant 0 : i32
    %scan3A_6 = arith.constant 40 : i32
    %scan3A_7 = arith.addi %scan3A_5, %scan3A_6 : i32
    %scan3A_8 = arith.constant 1 : i32
    scf.for %scan3A_158 = %scan3A_5 to %scan3A_7 step %scan3A_8  : i32 {
      %mul3A_159 = arith.constant 1 : i32
      %mul3A_160 = arith.muli %scan3A_158, %mul3A_159 : i32
      %add3A_161 = arith.constant 0 : i32
      %add3A_162 = arith.addi %add3A_161, %mul3A_160 : i32
      %broadcast_in_dim3A_163 = arith.constant 0.000000e+00 : f32
      %broadcast_in_dim3A_164 = vector.broadcast %broadcast_in_dim3A_163 : f32 to vector<16xf32>
      %mul3A_165 = arith.constant 16 : i32
      %mul3A_166 = arith.muli %add3A_162, %mul3A_165 : i32
      %swap3A_167 = arith.index_cast %mul3A_166 : i32 to index
      %swap3A_168 = tpu.vector_load %arg23[%swap3A_167] {strides = array<i32>} : memref<640xf32, #tpu.memory_space<vmem>>, vector<16xf32>,
      %swap3A_169 = vector.shape_cast %swap3A_168 : vector<16xf32> to vector<16xf32>
      %swap3A_170 = vector.shape_cast %broadcast_in_dim3A_164 : vector<16xf32> to vector<16xf32>
      tpu.vector_store %arg23[%swap3A_167], %swap3A_170 {strides = array<i32>} : memref<640xf32, #tpu.memory_space<vmem>>, vector<16xf32>,
    }
    %scan3A_9 = arith.constant 40 : i32
    %broadcast_in_dim3A = arith.constant 1.000000e+00 : f32
    %broadcast_in_dim3A_10 = vector.broadcast %broadcast_in_dim3A : f32 to vector<16xf32>
    %swap3A = arith.constant 0 : index
    %swap3A_11 = tpu.vector_load %arg21[%swap3A] {strides = array<i32>} : memref<40xf32, #tpu.memory_space<vmem>>, vector<16xf32>,
    %swap3A_12 = vector.shape_cast %swap3A_11 : vector<16xf32> to vector<16xf32>
    %swap3A_13 = vector.shape_cast %broadcast_in_dim3A_10 : vector<16xf32> to vector<16xf32>
    tpu.vector_store %arg21[%swap3A], %swap3A_13 {strides = array<i32>} : memref<40xf32, #tpu.memory_space<vmem>>, vector<16xf32>,
    %broadcast_in_dim3A_14 = arith.constant 1.000000e+00 : f32
    %broadcast_in_dim3A_15 = vector.broadcast %broadcast_in_dim3A_14 : f32 to vector<16xf32>
    %swap3A_16 = arith.constant 16 : index
    %swap3A_17 = tpu.vector_load %arg21[%swap3A_16] {strides = array<i32>} : memref<40xf32, #tpu.memory_space<vmem>>, vector<16xf32>,
    %swap3A_18 = vector.shape_cast %swap3A_17 : vector<16xf32> to vector<16xf32>
    %swap3A_19 = vector.shape_cast %broadcast_in_dim3A_15 : vector<16xf32> to vector<16xf32>
    tpu.vector_store %arg21[%swap3A_16], %swap3A_19 {strides = array<i32>} : memref<40xf32, #tpu.memory_space<vmem>>, vector<16xf32>,
    %broadcast_in_dim3A_20 = arith.constant 1.000000e+00 : f32
    %broadcast_in_dim3A_21 = vector.broadcast %broadcast_in_dim3A_20 : f32 to vector<16xf32>
    %swap3A_22 = arith.constant 24 : index
    %swap3A_23 = tpu.vector_load %arg21[%swap3A_22] {strides = array<i32>} : memref<40xf32, #tpu.memory_space<vmem>>, vector<16xf32>,
    %swap3A_24 = vector.shape_cast %swap3A_23 : vector<16xf32> to vector<16xf32>
    %swap3A_25 = vector.shape_cast %broadcast_in_dim3A_21 : vector<16xf32> to vector<16xf32>
    tpu.vector_store %arg21[%swap3A_22], %swap3A_25 {strides = array<i32>} : memref<40xf32, #tpu.memory_space<vmem>>, vector<16xf32>,
    %mul3A_26 = arith.constant 640 : i32
    %mul3A_27 = arith.muli %arg1, %mul3A_26 : i32
    %add3A_28 = arith.constant 0 : i32
    %add3A_29 = arith.addi %mul3A_27, %add3A_28 : i32
    "tpu.region"() ({
      %run_scoped3A = tpu.sem_alloc : memref<!tpu.dma_semaphore, #tpu.memory_space<semaphore_mem>>
      %dma_start3A_158 = arith.constant 0 : i32
      %dma_start3A_159 = tpu.memref_slice %arg9[%add3A_29, %dma_start3A_158] : memref<10240x128xf32, #tpu.memory_space<vmem_shared>> -> memref<128x128xf32, #tpu.memory_space<vmem_shared>>
      %dma_start3A_160 = arith.constant 0 : i32
      %dma_start3A_161 = tpu.memref_slice %arg9[%add3A_29, %dma_start3A_160] : memref<10240x128xf32, #tpu.memory_space<vmem_shared>> -> memref<128x128xf32, #tpu.memory_space<vmem_shared>>
      tpu.enqueue_dma source(%arg22 : memref<128x128xf32, #tpu.memory_space<vmem>>) target(%dma_start3A_161 : memref<128x128xf32, #tpu.memory_space<vmem_shared>>) target_semaphore(%run_scoped3A : memref<!tpu.dma_semaphore, #tpu.memory_space<semaphore_mem>>)
      %dma_wait3A_162 = arith.constant 0 : i32
      %dma_wait3A_163 = tpu.memref_slice %arg9[%add3A_29, %dma_wait3A_162] : memref<10240x128xf32, #tpu.memory_space<vmem_shared>> -> memref<128x128xf32, #tpu.memory_space<vmem_shared>>
      %dma_wait3A_164 = arith.constant 0 : i32
      %dma_wait3A_165 = tpu.memref_slice %arg9[%add3A_29, %dma_wait3A_164] : memref<10240x128xf32, #tpu.memory_space<vmem_shared>> -> memref<128x128xf32, #tpu.memory_space<vmem_shared>>
      tpu.wait_dma2 semaphore(%run_scoped3A : memref<!tpu.dma_semaphore, #tpu.memory_space<semaphore_mem>>) src(%arg22 : memref<128x128xf32, #tpu.memory_space<vmem>>) dst(%dma_wait3A_165 : memref<128x128xf32, #tpu.memory_space<vmem_shared>>)
      tpu.yield
    }) : () -> ()
    %mul3A_30 = arith.constant 640 : i32
    %mul3A_31 = arith.muli %arg1, %mul3A_30 : i32
    %add3A_32 = arith.constant 128 : i32
    %add3A_33 = arith.addi %mul3A_31, %add3A_32 : i32
    "tpu.region"() ({
      %run_scoped3A = tpu.sem_alloc : memref<!tpu.dma_semaphore, #tpu.memory_space<semaphore_mem>>
      %dma_start3A_158 = arith.constant 0 : i32
      %dma_start3A_159 = tpu.memref_slice %arg9[%add3A_33, %dma_start3A_158] : memref<10240x128xf32, #tpu.memory_space<vmem_shared>> -> memref<128x128xf32, #tpu.memory_space<vmem_shared>>
      %dma_start3A_160 = arith.constant 0 : i32
      %dma_start3A_161 = tpu.memref_slice %arg9[%add3A_33, %dma_start3A_160] : memref<10240x128xf32, #tpu.memory_space<vmem_shared>> -> memref<128x128xf32, #tpu.memory_space<vmem_shared>>
      tpu.enqueue_dma source(%arg22 : memref<128x128xf32, #tpu.memory_space<vmem>>) target(%dma_start3A_161 : memref<128x128xf32, #tpu.memory_space<vmem_shared>>) target_semaphore(%run_scoped3A : memref<!tpu.dma_semaphore, #tpu.memory_space<semaphore_mem>>)
      %dma_wait3A_162 = arith.constant 0 : i32
      %dma_wait3A_163 = tpu.memref_slice %arg9[%add3A_33, %dma_wait3A_162] : memref<10240x128xf32, #tpu.memory_space<vmem_shared>> -> memref<128x128xf32, #tpu.memory_space<vmem_shared>>
      %dma_wait3A_164 = arith.constant 0 : i32
      %dma_wait3A_165 = tpu.memref_slice %arg9[%add3A_33, %dma_wait3A_164] : memref<10240x128xf32, #tpu.memory_space<vmem_shared>> -> memref<128x128xf32, #tpu.memory_space<vmem_shared>>
      tpu.wait_dma2 semaphore(%run_scoped3A : memref<!tpu.dma_semaphore, #tpu.memory_space<semaphore_mem>>) src(%arg22 : memref<128x128xf32, #tpu.memory_space<vmem>>) dst(%dma_wait3A_165 : memref<128x128xf32, #tpu.memory_space<vmem_shared>>)
      tpu.yield
    }) : () -> ()
    %mul3A_34 = arith.constant 640 : i32
    %mul3A_35 = arith.muli %arg1, %mul3A_34 : i32
    %add3A_36 = arith.constant 256 : i32
    %add3A_37 = arith.addi %mul3A_35, %add3A_36 : i32
    "tpu.region"() ({
      %run_scoped3A = tpu.sem_alloc : memref<!tpu.dma_semaphore, #tpu.memory_space<semaphore_mem>>
      %dma_start3A_158 = arith.constant 0 : i32
      %dma_start3A_159 = tpu.memref_slice %arg9[%add3A_37, %dma_start3A_158] : memref<10240x128xf32, #tpu.memory_space<vmem_shared>> -> memref<128x128xf32, #tpu.memory_space<vmem_shared>>
      %dma_start3A_160 = arith.constant 0 : i32
      %dma_start3A_161 = tpu.memref_slice %arg9[%add3A_37, %dma_start3A_160] : memref<10240x128xf32, #tpu.memory_space<vmem_shared>> -> memref<128x128xf32, #tpu.memory_space<vmem_shared>>
      tpu.enqueue_dma source(%arg22 : memref<128x128xf32, #tpu.memory_space<vmem>>) target(%dma_start3A_161 : memref<128x128xf32, #tpu.memory_space<vmem_shared>>) target_semaphore(%run_scoped3A : memref<!tpu.dma_semaphore, #tpu.memory_space<semaphore_mem>>)
      %dma_wait3A_162 = arith.constant 0 : i32
      %dma_wait3A_163 = tpu.memref_slice %arg9[%add3A_37, %dma_wait3A_162] : memref<10240x128xf32, #tpu.memory_space<vmem_shared>> -> memref<128x128xf32, #tpu.memory_space<vmem_shared>>
      %dma_wait3A_164 = arith.constant 0 : i32
      %dma_wait3A_165 = tpu.memref_slice %arg9[%add3A_37, %dma_wait3A_164] : memref<10240x128xf32, #tpu.memory_space<vmem_shared>> -> memref<128x128xf32, #tpu.memory_space<vmem_shared>>
      tpu.wait_dma2 semaphore(%run_scoped3A : memref<!tpu.dma_semaphore, #tpu.memory_space<semaphore_mem>>) src(%arg22 : memref<128x128xf32, #tpu.memory_space<vmem>>) dst(%dma_wait3A_165 : memref<128x128xf32, #tpu.memory_space<vmem_shared>>)
      tpu.yield
    }) : () -> ()
    %mul3A_38 = arith.constant 640 : i32
    %mul3A_39 = arith.muli %arg1, %mul3A_38 : i32
    %add3A_40 = arith.constant 384 : i32
    %add3A_41 = arith.addi %mul3A_39, %add3A_40 : i32
    "tpu.region"() ({
      %run_scoped3A = tpu.sem_alloc : memref<!tpu.dma_semaphore, #tpu.memory_space<semaphore_mem>>
      %dma_start3A_158 = arith.constant 0 : i32
      %dma_start3A_159 = tpu.memref_slice %arg9[%add3A_41, %dma_start3A_158] : memref<10240x128xf32, #tpu.memory_space<vmem_shared>> -> memref<128x128xf32, #tpu.memory_space<vmem_shared>>
      %dma_start3A_160 = arith.constant 0 : i32
      %dma_start3A_161 = tpu.memref_slice %arg9[%add3A_41, %dma_start3A_160] : memref<10240x128xf32, #tpu.memory_space<vmem_shared>> -> memref<128x128xf32, #tpu.memory_space<vmem_shared>>
      tpu.enqueue_dma source(%arg22 : memref<128x128xf32, #tpu.memory_space<vmem>>) target(%dma_start3A_161 : memref<128x128xf32, #tpu.memory_space<vmem_shared>>) target_semaphore(%run_scoped3A : memref<!tpu.dma_semaphore, #tpu.memory_space<semaphore_mem>>)
      %dma_wait3A_162 = arith.constant 0 : i32
      %dma_wait3A_163 = tpu.memref_slice %arg9[%add3A_41, %dma_wait3A_162] : memref<10240x128xf32, #tpu.memory_space<vmem_shared>> -> memref<128x128xf32, #tpu.memory_space<vmem_shared>>
      %dma_wait3A_164 = arith.constant 0 : i32
      %dma_wait3A_165 = tpu.memref_slice %arg9[%add3A_41, %dma_wait3A_164] : memref<10240x128xf32, #tpu.memory_space<vmem_shared>> -> memref<128x128xf32, #tpu.memory_space<vmem_shared>>
      tpu.wait_dma2 semaphore(%run_scoped3A : memref<!tpu.dma_semaphore, #tpu.memory_space<semaphore_mem>>) src(%arg22 : memref<128x128xf32, #tpu.memory_space<vmem>>) dst(%dma_wait3A_165 : memref<128x128xf32, #tpu.memory_space<vmem_shared>>)
      tpu.yield
    }) : () -> ()
    %mul3A_42 = arith.constant 640 : i32
    %mul3A_43 = arith.muli %arg1, %mul3A_42 : i32
    %add3A_44 = arith.constant 512 : i32
    %add3A_45 = arith.addi %mul3A_43, %add3A_44 : i32
    "tpu.region"() ({
      %run_scoped3A = tpu.sem_alloc : memref<!tpu.dma_semaphore, #tpu.memory_space<semaphore_mem>>
      %dma_start3A_158 = arith.constant 0 : i32
      %dma_start3A_159 = tpu.memref_slice %arg9[%add3A_45, %dma_start3A_158] : memref<10240x128xf32, #tpu.memory_space<vmem_shared>> -> memref<128x128xf32, #tpu.memory_space<vmem_shared>>
      %dma_start3A_160 = arith.constant 0 : i32
      %dma_start3A_161 = tpu.memref_slice %arg9[%add3A_45, %dma_start3A_160] : memref<10240x128xf32, #tpu.memory_space<vmem_shared>> -> memref<128x128xf32, #tpu.memory_space<vmem_shared>>
      tpu.enqueue_dma source(%arg22 : memref<128x128xf32, #tpu.memory_space<vmem>>) target(%dma_start3A_161 : memref<128x128xf32, #tpu.memory_space<vmem_shared>>) target_semaphore(%run_scoped3A : memref<!tpu.dma_semaphore, #tpu.memory_space<semaphore_mem>>)
      %dma_wait3A_162 = arith.constant 0 : i32
      %dma_wait3A_163 = tpu.memref_slice %arg9[%add3A_45, %dma_wait3A_162] : memref<10240x128xf32, #tpu.memory_space<vmem_shared>> -> memref<128x128xf32, #tpu.memory_space<vmem_shared>>
      %dma_wait3A_164 = arith.constant 0 : i32
      %dma_wait3A_165 = tpu.memref_slice %arg9[%add3A_45, %dma_wait3A_164] : memref<10240x128xf32, #tpu.memory_space<vmem_shared>> -> memref<128x128xf32, #tpu.memory_space<vmem_shared>>
      tpu.wait_dma2 semaphore(%run_scoped3A : memref<!tpu.dma_semaphore, #tpu.memory_space<semaphore_mem>>) src(%arg22 : memref<128x128xf32, #tpu.memory_space<vmem>>) dst(%dma_wait3A_165 : memref<128x128xf32, #tpu.memory_space<vmem_shared>>)
      tpu.yield
    }) : () -> ()
    %mul3A_46 = arith.constant 640 : i32
    %mul3A_47 = arith.muli %arg1, %mul3A_46 : i32
    "tpu.region"() ({
      %run_scoped3A = tpu.sem_alloc : memref<!tpu.dma_semaphore, #tpu.memory_space<semaphore_mem>>
      %dma_start3A_158 = tpu.memref_slice %arg10[%mul3A_47] : memref<10240xf32, #tpu.memory_space<vmem_shared>> -> memref<640xf32, #tpu.memory_space<vmem_shared>>
      %dma_start3A_159 = tpu.memref_slice %arg10[%mul3A_47] : memref<10240xf32, #tpu.memory_space<vmem_shared>> -> memref<640xf32, #tpu.memory_space<vmem_shared>>
      tpu.enqueue_dma source(%arg23 : memref<640xf32, #tpu.memory_space<vmem>>) target(%dma_start3A_159 : memref<640xf32, #tpu.memory_space<vmem_shared>>) target_semaphore(%run_scoped3A : memref<!tpu.dma_semaphore, #tpu.memory_space<semaphore_mem>>)
      %dma_wait3A_160 = tpu.memref_slice %arg10[%mul3A_47] : memref<10240xf32, #tpu.memory_space<vmem_shared>> -> memref<640xf32, #tpu.memory_space<vmem_shared>>
      %dma_wait3A_161 = tpu.memref_slice %arg10[%mul3A_47] : memref<10240xf32, #tpu.memory_space<vmem_shared>> -> memref<640xf32, #tpu.memory_space<vmem_shared>>
      tpu.wait_dma2 semaphore(%run_scoped3A : memref<!tpu.dma_semaphore, #tpu.memory_space<semaphore_mem>>) src(%arg23 : memref<640xf32, #tpu.memory_space<vmem>>) dst(%dma_wait3A_161 : memref<640xf32, #tpu.memory_space<vmem_shared>>)
      tpu.yield
    }) : () -> ()
    %barrier3A = arith.constant 0 : index
    tpu.barrier barrier_id(%barrier3A)
    %mul3A_48 = arith.constant 10000 : i32
    %mul3A_49 = arith.muli %add3A, %mul3A_48 : i32
    %add3A_50 = arith.constant 0 : i32
    %add3A_51 = arith.addi %mul3A_49, %add3A_50 : i32
    %dma_start3A = tpu.memref_slice %arg5[%add3A_51] : memref<320000xi32, #tpu.memory_space<hbm>> -> memref<40xi32, #tpu.memory_space<hbm>>
    %dma_start3A_52 = tpu.memref_slice %arg5[%add3A_51] : memref<320000xi32, #tpu.memory_space<hbm>> -> memref<40xi32, #tpu.memory_space<hbm>>
    tpu.enqueue_dma source(%dma_start3A_52 : memref<40xi32, #tpu.memory_space<hbm>>) target(%arg11 : memref<40xi32, #tpu.memory_space<vmem>>) target_semaphore(%arg24 : memref<!tpu.dma_semaphore, #tpu.memory_space<semaphore_mem>>)
    %dma_start3A_53 = tpu.memref_slice %arg6[%add3A_51] : memref<320000xi32, #tpu.memory_space<hbm>> -> memref<40xi32, #tpu.memory_space<hbm>>
    %dma_start3A_54 = tpu.memref_slice %arg6[%add3A_51] : memref<320000xi32, #tpu.memory_space<hbm>> -> memref<40xi32, #tpu.memory_space<hbm>>
    tpu.enqueue_dma source(%dma_start3A_54 : memref<40xi32, #tpu.memory_space<hbm>>) target(%arg13 : memref<40xi32, #tpu.memory_space<vmem>>) target_semaphore(%arg24 : memref<!tpu.dma_semaphore, #tpu.memory_space<semaphore_mem>>)
    %dma_start3A_55 = arith.constant 0 : i32
    %dma_start3A_56 = tpu.memref_slice %arg15[%dma_start3A_55] : memref<56xf32, #tpu.memory_space<vmem>> -> memref<40xf32, #tpu.memory_space<vmem>>
    %dma_start3A_57 = tpu.memref_slice %arg4[%add3A_51] : memref<320000xf32, #tpu.memory_space<hbm>> -> memref<40xf32, #tpu.memory_space<hbm>>
    %dma_start3A_58 = arith.constant 0 : i32
    %dma_start3A_59 = tpu.memref_slice %arg15[%dma_start3A_58] : memref<56xf32, #tpu.memory_space<vmem>> -> memref<40xf32, #tpu.memory_space<vmem>>
    %dma_start3A_60 = tpu.memref_slice %arg4[%add3A_51] : memref<320000xf32, #tpu.memory_space<hbm>> -> memref<40xf32, #tpu.memory_space<hbm>>
    tpu.enqueue_dma source(%dma_start3A_60 : memref<40xf32, #tpu.memory_space<hbm>>) target(%dma_start3A_59 : memref<40xf32, #tpu.memory_space<vmem>>) target_semaphore(%arg24 : memref<!tpu.dma_semaphore, #tpu.memory_space<semaphore_mem>>)
    %add3A_61 = arith.constant 40 : i32
    %add3A_62 = arith.addi %mul3A_49, %add3A_61 : i32
    %dma_start3A_63 = tpu.memref_slice %arg5[%add3A_62] : memref<320000xi32, #tpu.memory_space<hbm>> -> memref<40xi32, #tpu.memory_space<hbm>>
    %dma_start3A_64 = tpu.memref_slice %arg5[%add3A_62] : memref<320000xi32, #tpu.memory_space<hbm>> -> memref<40xi32, #tpu.memory_space<hbm>>
    tpu.enqueue_dma source(%dma_start3A_64 : memref<40xi32, #tpu.memory_space<hbm>>) target(%arg12 : memref<40xi32, #tpu.memory_space<vmem>>) target_semaphore(%arg25 : memref<!tpu.dma_semaphore, #tpu.memory_space<semaphore_mem>>)
    %dma_start3A_65 = tpu.memref_slice %arg6[%add3A_62] : memref<320000xi32, #tpu.memory_space<hbm>> -> memref<40xi32, #tpu.memory_space<hbm>>
    %dma_start3A_66 = tpu.memref_slice %arg6[%add3A_62] : memref<320000xi32, #tpu.memory_space<hbm>> -> memref<40xi32, #tpu.memory_space<hbm>>
    tpu.enqueue_dma source(%dma_start3A_66 : memref<40xi32, #tpu.memory_space<hbm>>) target(%arg14 : memref<40xi32, #tpu.memory_space<vmem>>) target_semaphore(%arg25 : memref<!tpu.dma_semaphore, #tpu.memory_space<semaphore_mem>>)
    %dma_start3A_67 = arith.constant 0 : i32
    %dma_start3A_68 = tpu.memref_slice %arg16[%dma_start3A_67] : memref<56xf32, #tpu.memory_space<vmem>> -> memref<40xf32, #tpu.memory_space<vmem>>
    %dma_start3A_69 = tpu.memref_slice %arg4[%add3A_62] : memref<320000xf32, #tpu.memory_space<hbm>> -> memref<40xf32, #tpu.memory_space<hbm>>
    %dma_start3A_70 = arith.constant 0 : i32
    %dma_start3A_71 = tpu.memref_slice %arg16[%dma_start3A_70] : memref<56xf32, #tpu.memory_space<vmem>> -> memref<40xf32, #tpu.memory_space<vmem>>
    %dma_start3A_72 = tpu.memref_slice %arg4[%add3A_62] : memref<320000xf32, #tpu.memory_space<hbm>> -> memref<40xf32, #tpu.memory_space<hbm>>
    tpu.enqueue_dma source(%dma_start3A_72 : memref<40xf32, #tpu.memory_space<hbm>>) target(%dma_start3A_71 : memref<40xf32, #tpu.memory_space<vmem>>) target_semaphore(%arg25 : memref<!tpu.dma_semaphore, #tpu.memory_space<semaphore_mem>>)
    %dma_wait3A = arith.constant 0 : i32
    %dma_wait3A_73 = tpu.memref_slice %arg5[%dma_wait3A] : memref<320000xi32, #tpu.memory_space<hbm>> -> memref<40xi32, #tpu.memory_space<hbm>>
    %dma_wait3A_74 = arith.constant 0 : i32
    %dma_wait3A_75 = tpu.memref_slice %arg5[%dma_wait3A_74] : memref<320000xi32, #tpu.memory_space<hbm>> -> memref<40xi32, #tpu.memory_space<hbm>>
    tpu.wait_dma2 semaphore(%arg24 : memref<!tpu.dma_semaphore, #tpu.memory_space<semaphore_mem>>) src(%dma_wait3A_75 : memref<40xi32, #tpu.memory_space<hbm>>) dst(%arg11 : memref<40xi32, #tpu.memory_space<vmem>>)
    %dma_wait3A_76 = arith.constant 0 : i32
    %dma_wait3A_77 = tpu.memref_slice %arg6[%dma_wait3A_76] : memref<320000xi32, #tpu.memory_space<hbm>> -> memref<40xi32, #tpu.memory_space<hbm>>
    %dma_wait3A_78 = arith.constant 0 : i32
    %dma_wait3A_79 = tpu.memref_slice %arg6[%dma_wait3A_78] : memref<320000xi32, #tpu.memory_space<hbm>> -> memref<40xi32, #tpu.memory_space<hbm>>
    tpu.wait_dma2 semaphore(%arg24 : memref<!tpu.dma_semaphore, #tpu.memory_space<semaphore_mem>>) src(%dma_wait3A_79 : memref<40xi32, #tpu.memory_space<hbm>>) dst(%arg13 : memref<40xi32, #tpu.memory_space<vmem>>)
    %dma_wait3A_80 = arith.constant 0 : i32
    %dma_wait3A_81 = tpu.memref_slice %arg15[%dma_wait3A_80] : memref<56xf32, #tpu.memory_space<vmem>> -> memref<40xf32, #tpu.memory_space<vmem>>
    %dma_wait3A_82 = arith.constant 0 : i32
    %dma_wait3A_83 = tpu.memref_slice %arg4[%dma_wait3A_82] : memref<320000xf32, #tpu.memory_space<hbm>> -> memref<40xf32, #tpu.memory_space<hbm>>
    %dma_wait3A_84 = arith.constant 0 : i32
    %dma_wait3A_85 = tpu.memref_slice %arg15[%dma_wait3A_84] : memref<56xf32, #tpu.memory_space<vmem>> -> memref<40xf32, #tpu.memory_space<vmem>>
    %dma_wait3A_86 = arith.constant 0 : i32
    %dma_wait3A_87 = tpu.memref_slice %arg4[%dma_wait3A_86] : memref<320000xf32, #tpu.memory_space<hbm>> -> memref<40xf32, #tpu.memory_space<hbm>>
    tpu.wait_dma2 semaphore(%arg24 : memref<!tpu.dma_semaphore, #tpu.memory_space<semaphore_mem>>) src(%dma_wait3A_87 : memref<40xf32, #tpu.memory_space<hbm>>) dst(%dma_wait3A_85 : memref<40xf32, #tpu.memory_space<vmem>>)
    %dma_start3A_88 = arith.constant 0 : i32
    %dma_start3A_89 = arith.constant 0 : i32
    %dma_start3A_90 = tpu.memref_slice %arg2[%dma_start3A_88, %dma_start3A_89] : memref<10000x128xf32, #tpu.memory_space<hbm>> -> memref<10000x128xf32, #tpu.memory_space<hbm>>
    tpu.enqueue_indirect_dma source(%dma_start3A_90 : memref<10000x128xf32, #tpu.memory_space<hbm>>) target(%arg17 : memref<40x128xf32, #tpu.memory_space<vmem>>) offsets(%arg11 : memref<40xi32, #tpu.memory_space<vmem>>) semaphore(%arg26 : memref<!tpu.dma_semaphore, #tpu.memory_space<semaphore_mem>>)
    %dma_start3A_91 = arith.constant 0 : i32
    %dma_start3A_92 = tpu.memref_slice %arg3[%mul3A_49, %dma_start3A_91] : memref<320000x128xf32, #tpu.memory_space<hbm>> -> memref<40x128xf32, #tpu.memory_space<hbm>>
    %dma_start3A_93 = arith.constant 0 : i32
    %dma_start3A_94 = tpu.memref_slice %arg3[%mul3A_49, %dma_start3A_93] : memref<320000x128xf32, #tpu.memory_space<hbm>> -> memref<40x128xf32, #tpu.memory_space<hbm>>
    tpu.enqueue_dma source(%dma_start3A_94 : memref<40x128xf32, #tpu.memory_space<hbm>>) target(%arg19 : memref<40x128xf32, #tpu.memory_space<vmem>>) target_semaphore(%arg28 : memref<!tpu.dma_semaphore, #tpu.memory_space<semaphore_mem>>)
    %dma_wait3A_95 = arith.constant 0 : i32
    %dma_wait3A_96 = arith.constant 0 : i32
    %dma_wait3A_97 = tpu.memref_slice %arg2[%dma_wait3A_95, %dma_wait3A_96] : memref<10000x128xf32, #tpu.memory_space<hbm>> -> memref<10000x128xf32, #tpu.memory_space<hbm>>
    tpu.wait_indirect_dma semaphore(%arg26 : memref<!tpu.dma_semaphore, #tpu.memory_space<semaphore_mem>>) src(%dma_wait3A_97 : memref<10000x128xf32, #tpu.memory_space<hbm>>) dst(%arg17 : memref<40x128xf32, #tpu.memory_space<vmem>>)
    %dma_wait3A_98 = arith.constant 0 : i32
    %dma_wait3A_99 = tpu.memref_slice %arg3[%mul3A_49, %dma_wait3A_98] : memref<320000x128xf32, #tpu.memory_space<hbm>> -> memref<40x128xf32, #tpu.memory_space<hbm>>
    %dma_wait3A_100 = arith.constant 0 : i32
    %dma_wait3A_101 = tpu.memref_slice %arg3[%mul3A_49, %dma_wait3A_100] : memref<320000x128xf32, #tpu.memory_space<hbm>> -> memref<40x128xf32, #tpu.memory_space<hbm>>
    tpu.wait_dma2 semaphore(%arg28 : memref<!tpu.dma_semaphore, #tpu.memory_space<semaphore_mem>>) src(%dma_wait3A_101 : memref<40x128xf32, #tpu.memory_space<hbm>>) dst(%arg19 : memref<40x128xf32, #tpu.memory_space<vmem>>)
    %scan3A_102 = arith.constant 0 : i32
    %scan3A_103 = arith.constant 124 : i32
    %scan3A_104 = arith.addi %scan3A_102, %scan3A_103 : i32
    %scan3A_105 = arith.constant 1 : i32
    scf.for %scan3A_158 = %scan3A_102 to %scan3A_104 step %scan3A_105  : i32 {
      %mul3A_159 = arith.constant 1 : i32
      %mul3A_160 = arith.muli %scan3A_158, %mul3A_159 : i32
      %add3A_161 = arith.constant 0 : i32
      %add3A_162 = arith.addi %add3A_161, %mul3A_160 : i32
      %dma_wait3A_163 = arith.constant 0 : i32
      %dma_wait3A_164 = tpu.memref_slice %arg5[%dma_wait3A_163] : memref<320000xi32, #tpu.memory_space<hbm>> -> memref<40xi32, #tpu.memory_space<hbm>>
      %dma_wait3A_165 = arith.constant 0 : i32
      %dma_wait3A_166 = tpu.memref_slice %arg5[%dma_wait3A_165] : memref<320000xi32, #tpu.memory_space<hbm>> -> memref<40xi32, #tpu.memory_space<hbm>>
      tpu.wait_dma2 semaphore(%arg25 : memref<!tpu.dma_semaphore, #tpu.memory_space<semaphore_mem>>) src(%dma_wait3A_166 : memref<40xi32, #tpu.memory_space<hbm>>) dst(%arg12 : memref<40xi32, #tpu.memory_space<vmem>>)
      %dma_wait3A_167 = arith.constant 0 : i32
      %dma_wait3A_168 = tpu.memref_slice %arg6[%dma_wait3A_167] : memref<320000xi32, #tpu.memory_space<hbm>> -> memref<40xi32, #tpu.memory_space<hbm>>
      %dma_wait3A_169 = arith.constant 0 : i32
      %dma_wait3A_170 = tpu.memref_slice %arg6[%dma_wait3A_169] : memref<320000xi32, #tpu.memory_space<hbm>> -> memref<40xi32, #tpu.memory_space<hbm>>
      tpu.wait_dma2 semaphore(%arg25 : memref<!tpu.dma_semaphore, #tpu.memory_space<semaphore_mem>>) src(%dma_wait3A_170 : memref<40xi32, #tpu.memory_space<hbm>>) dst(%arg14 : memref<40xi32, #tpu.memory_space<vmem>>)
      %dma_wait3A_171 = arith.constant 0 : i32
      %dma_wait3A_172 = tpu.memref_slice %arg16[%dma_wait3A_171] : memref<56xf32, #tpu.memory_space<vmem>> -> memref<40xf32, #tpu.memory_space<vmem>>
      %dma_wait3A_173 = arith.constant 0 : i32
      %dma_wait3A_174 = tpu.memref_slice %arg4[%dma_wait3A_173] : memref<320000xf32, #tpu.memory_space<hbm>> -> memref<40xf32, #tpu.memory_space<hbm>>
      %dma_wait3A_175 = arith.constant 0 : i32
      %dma_wait3A_176 = tpu.memref_slice %arg16[%dma_wait3A_175] : memref<56xf32, #tpu.memory_space<vmem>> -> memref<40xf32, #tpu.memory_space<vmem>>
      %dma_wait3A_177 = arith.constant 0 : i32
      %dma_wait3A_178 = tpu.memref_slice %arg4[%dma_wait3A_177] : memref<320000xf32, #tpu.memory_space<hbm>> -> memref<40xf32, #tpu.memory_space<hbm>>
      tpu.wait_dma2 semaphore(%arg25 : memref<!tpu.dma_semaphore, #tpu.memory_space<semaphore_mem>>) src(%dma_wait3A_178 : memref<40xf32, #tpu.memory_space<hbm>>) dst(%dma_wait3A_176 : memref<40xf32, #tpu.memory_space<vmem>>)
      %dma_start3A_179 = arith.constant 0 : i32
      %dma_start3A_180 = arith.constant 0 : i32
      %dma_start3A_181 = tpu.memref_slice %arg2[%dma_start3A_179, %dma_start3A_180] : memref<10000x128xf32, #tpu.memory_space<hbm>> -> memref<10000x128xf32, #tpu.memory_space<hbm>>
      tpu.enqueue_indirect_dma source(%dma_start3A_181 : memref<10000x128xf32, #tpu.memory_space<hbm>>) target(%arg18 : memref<40x128xf32, #tpu.memory_space<vmem>>) offsets(%arg12 : memref<40xi32, #tpu.memory_space<vmem>>) semaphore(%arg27 : memref<!tpu.dma_semaphore, #tpu.memory_space<semaphore_mem>>)
      %mul3A_182 = arith.constant 2 : i32
      %mul3A_183 = arith.muli %mul3A_182, %add3A_162 : i32
      %mul3A_184 = arith.constant 40 : i32
      %mul3A_185 = arith.muli %mul3A_183, %mul3A_184 : i32
      %scan3A_186 = arith.constant 0 : i32
      %scan3A_187 = arith.constant 40 : i32
      %scan3A_188 = arith.addi %scan3A_186, %scan3A_187 : i32
      %scan3A_189 = arith.constant 1 : i32
      scf.for %scan3A_291 = %scan3A_186 to %scan3A_188 step %scan3A_189  : i32 {
        %mul3A_292 = arith.constant 1 : i32
        %mul3A_293 = arith.muli %scan3A_291, %mul3A_292 : i32
        %add3A_294 = arith.constant 0 : i32
        %add3A_295 = arith.addi %add3A_294, %mul3A_293 : i32
        %get3A = arith.index_cast %add3A_295 : i32 to index
        %get3A_296 = tpu.vector_load %arg15[%get3A] {strides = array<i32>} : memref<56xf32, #tpu.memory_space<vmem>>, vector<16xf32>,
        %get3A_297 = vector.shape_cast %get3A_296 : vector<16xf32> to vector<16xf32>
        %slice3A = vector.extract_strided_slice %get3A_297 {offsets = [0], sizes = [1], strides = [1]} : vector<16xf32> to vector<1xf32>
        %squeeze3A = vector.extract %slice3A[0] : f32 from vector<1xf32>
        %get3A_298 = arith.index_cast %add3A_295 : i32 to index
        %get3A_299 = arith.constant 0 : index
        %get3A_300 = tpu.vector_load %arg17[%get3A_298, %get3A_299] {strides = array<i32>} : memref<40x128xf32, #tpu.memory_space<vmem>>, vector<1x16xf32>,
        %get3A_301 = vector.shape_cast %get3A_300 : vector<1x16xf32> to vector<16xf32>
        %get3A_302 = arith.index_cast %add3A_295 : i32 to index
        %get3A_303 = arith.constant 0 : index
        %get3A_304 = tpu.vector_load %arg19[%get3A_302, %get3A_303] {strides = array<i32>} : memref<40x128xf32, #tpu.memory_space<vmem>>, vector<1x16xf32>,
        %get3A_305 = vector.shape_cast %get3A_304 : vector<1x16xf32> to vector<16xf32>
        %mul3A_306 = arith.mulf %get3A_301, %get3A_305 : vector<16xf32>
        %mul3A_307 = vector.broadcast %squeeze3A : f32 to vector<16xf32>
        %mul3A_308 = arith.mulf %mul3A_306, %mul3A_307 : vector<16xf32>
        %swap3A_309 = arith.index_cast %add3A_295 : i32 to index
        %swap3A_310 = arith.constant 0 : index
        %swap3A_311 = tpu.vector_load %arg20[%swap3A_309, %swap3A_310] {strides = array<i32>} : memref<40x128xf32, #tpu.memory_space<vmem>>, vector<1x16xf32>,
        %swap3A_312 = vector.shape_cast %swap3A_311 : vector<1x16xf32> to vector<16xf32>
        %swap3A_313 = vector.shape_cast %mul3A_308 : vector<16xf32> to vector<1x16xf32>
        tpu.vector_store %arg20[%swap3A_309, %swap3A_310], %swap3A_313 {strides = array<i32>} : memref<40x128xf32, #tpu.memory_space<vmem>>, vector<1x16xf32>,
        %get3A_314 = arith.index_cast %add3A_295 : i32 to index
        %get3A_315 = arith.constant 16 : index
        %get3A_316 = tpu.vector_load %arg17[%get3A_314, %get3A_315] {strides = array<i32>} : memref<40x128xf32, #tpu.memory_space<vmem>>, vector<1x16xf32>,
        %get3A_317 = vector.shape_cast %get3A_316 : vector<1x16xf32> to vector<16xf32>
        %get3A_318 = arith.index_cast %add3A_295 : i32 to index
        %get3A_319 = arith.constant 16 : index
        %get3A_320 = tpu.vector_load %arg19[%get3A_318, %get3A_319] {strides = array<i32>} : memref<40x128xf32, #tpu.memory_space<vmem>>, vector<1x16xf32>,
        %get3A_321 = vector.shape_cast %get3A_320 : vector<1x16xf32> to vector<16xf32>
        %mul3A_322 = arith.mulf %get3A_317, %get3A_321 : vector<16xf32>
        %mul3A_323 = vector.broadcast %squeeze3A : f32 to vector<16xf32>
        %mul3A_324 = arith.mulf %mul3A_322, %mul3A_323 : vector<16xf32>
        %swap3A_325 = arith.index_cast %add3A_295 : i32 to index
        %swap3A_326 = arith.constant 16 : index
        %swap3A_327 = tpu.vector_load %arg20[%swap3A_325, %swap3A_326] {strides = array<i32>} : memref<40x128xf32, #tpu.memory_space<vmem>>, vector<1x16xf32>,
        %swap3A_328 = vector.shape_cast %swap3A_327 : vector<1x16xf32> to vector<16xf32>
        %swap3A_329 = vector.shape_cast %mul3A_324 : vector<16xf32> to vector<1x16xf32>
        tpu.vector_store %arg20[%swap3A_325, %swap3A_326], %swap3A_329 {strides = array<i32>} : memref<40x128xf32, #tpu.memory_space<vmem>>, vector<1x16xf32>,
        %get3A_330 = arith.index_cast %add3A_295 : i32 to index
        %get3A_331 = arith.constant 32 : index
        %get3A_332 = tpu.vector_load %arg17[%get3A_330, %get3A_331] {strides = array<i32>} : memref<40x128xf32, #tpu.memory_space<vmem>>, vector<1x16xf32>,
        %get3A_333 = vector.shape_cast %get3A_332 : vector<1x16xf32> to vector<16xf32>
        %get3A_334 = arith.index_cast %add3A_295 : i32 to index
        %get3A_335 = arith.constant 32 : index
        %get3A_336 = tpu.vector_load %arg19[%get3A_334, %get3A_335] {strides = array<i32>} : memref<40x128xf32, #tpu.memory_space<vmem>>, vector<1x16xf32>,
        %get3A_337 = vector.shape_cast %get3A_336 : vector<1x16xf32> to vector<16xf32>
        %mul3A_338 = arith.mulf %get3A_333, %get3A_337 : vector<16xf32>
        %mul3A_339 = vector.broadcast %squeeze3A : f32 to vector<16xf32>
        %mul3A_340 = arith.mulf %mul3A_338, %mul3A_339 : vector<16xf32>
        %swap3A_341 = arith.index_cast %add3A_295 : i32 to index
        %swap3A_342 = arith.constant 32 : index
        %swap3A_343 = tpu.vector_load %arg20[%swap3A_341, %swap3A_342] {strides = array<i32>} : memref<40x128xf32, #tpu.memory_space<vmem>>, vector<1x16xf32>,
        %swap3A_344 = vector.shape_cast %swap3A_343 : vector<1x16xf32> to vector<16xf32>
        %swap3A_345 = vector.shape_cast %mul3A_340 : vector<16xf32> to vector<1x16xf32>
        tpu.vector_store %arg20[%swap3A_341, %swap3A_342], %swap3A_345 {strides = array<i32>} : memref<40x128xf32, #tpu.memory_space<vmem>>, vector<1x16xf32>,
        %get3A_346 = arith.index_cast %add3A_295 : i32 to index
        %get3A_347 = arith.constant 48 : index
        %get3A_348 = tpu.vector_load %arg17[%get3A_346, %get3A_347] {strides = array<i32>} : memref<40x128xf32, #tpu.memory_space<vmem>>, vector<1x16xf32>,
        %get3A_349 = vector.shape_cast %get3A_348 : vector<1x16xf32> to vector<16xf32>
        %get3A_350 = arith.index_cast %add3A_295 : i32 to index
        %get3A_351 = arith.constant 48 : index
        %get3A_352 = tpu.vector_load %arg19[%get3A_350, %get3A_351] {strides = array<i32>} : memref<40x128xf32, #tpu.memory_space<vmem>>, vector<1x16xf32>,
        %get3A_353 = vector.shape_cast %get3A_352 : vector<1x16xf32> to vector<16xf32>
        %mul3A_354 = arith.mulf %get3A_349, %get3A_353 : vector<16xf32>
        %mul3A_355 = vector.broadcast %squeeze3A : f32 to vector<16xf32>
        %mul3A_356 = arith.mulf %mul3A_354, %mul3A_355 : vector<16xf32>
        %swap3A_357 = arith.index_cast %add3A_295 : i32 to index
        %swap3A_358 = arith.constant 48 : index
        %swap3A_359 = tpu.vector_load %arg20[%swap3A_357, %swap3A_358] {strides = array<i32>} : memref<40x128xf32, #tpu.memory_space<vmem>>, vector<1x16xf32>,
        %swap3A_360 = vector.shape_cast %swap3A_359 : vector<1x16xf32> to vector<16xf32>
        %swap3A_361 = vector.shape_cast %mul3A_356 : vector<16xf32> to vector<1x16xf32>
        tpu.vector_store %arg20[%swap3A_357, %swap3A_358], %swap3A_361 {strides = array<i32>} : memref<40x128xf32, #tpu.memory_space<vmem>>, vector<1x16xf32>,
        %get3A_362 = arith.index_cast %add3A_295 : i32 to index
        %get3A_363 = arith.constant 64 : index
        %get3A_364 = tpu.vector_load %arg17[%get3A_362, %get3A_363] {strides = array<i32>} : memref<40x128xf32, #tpu.memory_space<vmem>>, vector<1x16xf32>,
        %get3A_365 = vector.shape_cast %get3A_364 : vector<1x16xf32> to vector<16xf32>
        %get3A_366 = arith.index_cast %add3A_295 : i32 to index
        %get3A_367 = arith.constant 64 : index
        %get3A_368 = tpu.vector_load %arg19[%get3A_366, %get3A_367] {strides = array<i32>} : memref<40x128xf32, #tpu.memory_space<vmem>>, vector<1x16xf32>,
        %get3A_369 = vector.shape_cast %get3A_368 : vector<1x16xf32> to vector<16xf32>
        %mul3A_370 = arith.mulf %get3A_365, %get3A_369 : vector<16xf32>
        %mul3A_371 = vector.broadcast %squeeze3A : f32 to vector<16xf32>
        %mul3A_372 = arith.mulf %mul3A_370, %mul3A_371 : vector<16xf32>
        %swap3A_373 = arith.index_cast %add3A_295 : i32 to index
        %swap3A_374 = arith.constant 64 : index
        %swap3A_375 = tpu.vector_load %arg20[%swap3A_373, %swap3A_374] {strides = array<i32>} : memref<40x128xf32, #tpu.memory_space<vmem>>, vector<1x16xf32>,
        %swap3A_376 = vector.shape_cast %swap3A_375 : vector<1x16xf32> to vector<16xf32>
        %swap3A_377 = vector.shape_cast %mul3A_372 : vector<16xf32> to vector<1x16xf32>
        tpu.vector_store %arg20[%swap3A_373, %swap3A_374], %swap3A_377 {strides = array<i32>} : memref<40x128xf32, #tpu.memory_space<vmem>>, vector<1x16xf32>,
        %get3A_378 = arith.index_cast %add3A_295 : i32 to index
        %get3A_379 = arith.constant 80 : index
        %get3A_380 = tpu.vector_load %arg17[%get3A_378, %get3A_379] {strides = array<i32>} : memref<40x128xf32, #tpu.memory_space<vmem>>, vector<1x16xf32>,
        %get3A_381 = vector.shape_cast %get3A_380 : vector<1x16xf32> to vector<16xf32>
        %get3A_382 = arith.index_cast %add3A_295 : i32 to index
        %get3A_383 = arith.constant 80 : index
        %get3A_384 = tpu.vector_load %arg19[%get3A_382, %get3A_383] {strides = array<i32>} : memref<40x128xf32, #tpu.memory_space<vmem>>, vector<1x16xf32>,
        %get3A_385 = vector.shape_cast %get3A_384 : vector<1x16xf32> to vector<16xf32>
        %mul3A_386 = arith.mulf %get3A_381, %get3A_385 : vector<16xf32>
        %mul3A_387 = vector.broadcast %squeeze3A : f32 to vector<16xf32>
        %mul3A_388 = arith.mulf %mul3A_386, %mul3A_387 : vector<16xf32>
        %swap3A_389 = arith.index_cast %add3A_295 : i32 to index
        %swap3A_390 = arith.constant 80 : index
        %swap3A_391 = tpu.vector_load %arg20[%swap3A_389, %swap3A_390] {strides = array<i32>} : memref<40x128xf32, #tpu.memory_space<vmem>>, vector<1x16xf32>,
        %swap3A_392 = vector.shape_cast %swap3A_391 : vector<1x16xf32> to vector<16xf32>
        %swap3A_393 = vector.shape_cast %mul3A_388 : vector<16xf32> to vector<1x16xf32>
        tpu.vector_store %arg20[%swap3A_389, %swap3A_390], %swap3A_393 {strides = array<i32>} : memref<40x128xf32, #tpu.memory_space<vmem>>, vector<1x16xf32>,
        %get3A_394 = arith.index_cast %add3A_295 : i32 to index
        %get3A_395 = arith.constant 96 : index
        %get3A_396 = tpu.vector_load %arg17[%get3A_394, %get3A_395] {strides = array<i32>} : memref<40x128xf32, #tpu.memory_space<vmem>>, vector<1x16xf32>,
        %get3A_397 = vector.shape_cast %get3A_396 : vector<1x16xf32> to vector<16xf32>
        %get3A_398 = arith.index_cast %add3A_295 : i32 to index
        %get3A_399 = arith.constant 96 : index
        %get3A_400 = tpu.vector_load %arg19[%get3A_398, %get3A_399] {strides = array<i32>} : memref<40x128xf32, #tpu.memory_space<vmem>>, vector<1x16xf32>,
        %get3A_401 = vector.shape_cast %get3A_400 : vector<1x16xf32> to vector<16xf32>
        %mul3A_402 = arith.mulf %get3A_397, %get3A_401 : vector<16xf32>
        %mul3A_403 = vector.broadcast %squeeze3A : f32 to vector<16xf32>
        %mul3A_404 = arith.mulf %mul3A_402, %mul3A_403 : vector<16xf32>
        %swap3A_405 = arith.index_cast %add3A_295 : i32 to index
        %swap3A_406 = arith.constant 96 : index
        %swap3A_407 = tpu.vector_load %arg20[%swap3A_405, %swap3A_406] {strides = array<i32>} : memref<40x128xf32, #tpu.memory_space<vmem>>, vector<1x16xf32>,
        %swap3A_408 = vector.shape_cast %swap3A_407 : vector<1x16xf32> to vector<16xf32>
        %swap3A_409 = vector.shape_cast %mul3A_404 : vector<16xf32> to vector<1x16xf32>
        tpu.vector_store %arg20[%swap3A_405, %swap3A_406], %swap3A_409 {strides = array<i32>} : memref<40x128xf32, #tpu.memory_space<vmem>>, vector<1x16xf32>,
        %get3A_410 = arith.index_cast %add3A_295 : i32 to index
        %get3A_411 = arith.constant 112 : index
        %get3A_412 = tpu.vector_load %arg17[%get3A_410, %get3A_411] {strides = array<i32>} : memref<40x128xf32, #tpu.memory_space<vmem>>, vector<1x16xf32>,
        %get3A_413 = vector.shape_cast %get3A_412 : vector<1x16xf32> to vector<16xf32>
        %get3A_414 = arith.index_cast %add3A_295 : i32 to index
        %get3A_415 = arith.constant 112 : index
        %get3A_416 = tpu.vector_load %arg19[%get3A_414, %get3A_415] {strides = array<i32>} : memref<40x128xf32, #tpu.memory_space<vmem>>, vector<1x16xf32>,
        %get3A_417 = vector.shape_cast %get3A_416 : vector<1x16xf32> to vector<16xf32>
        %mul3A_418 = arith.mulf %get3A_413, %get3A_417 : vector<16xf32>
        %mul3A_419 = vector.broadcast %squeeze3A : f32 to vector<16xf32>
        %mul3A_420 = arith.mulf %mul3A_418, %mul3A_419 : vector<16xf32>
        %swap3A_421 = arith.index_cast %add3A_295 : i32 to index
        %swap3A_422 = arith.constant 112 : index
        %swap3A_423 = tpu.vector_load %arg20[%swap3A_421, %swap3A_422] {strides = array<i32>} : memref<40x128xf32, #tpu.memory_space<vmem>>, vector<1x16xf32>,
        %swap3A_424 = vector.shape_cast %swap3A_423 : vector<1x16xf32> to vector<16xf32>
        %swap3A_425 = vector.shape_cast %mul3A_420 : vector<16xf32> to vector<1x16xf32>
        tpu.vector_store %arg20[%swap3A_421, %swap3A_422], %swap3A_425 {strides = array<i32>} : memref<40x128xf32, #tpu.memory_space<vmem>>, vector<1x16xf32>,
      }
      %scan3A_190 = arith.constant 40 : i32
      "tpu.region"() ({
        %run_scoped3A = tpu.sem_alloc : memref<!tpu.dma_semaphore, #tpu.memory_space<semaphore_mem>>
        %dma_start3A_291 = arith.constant 0 : i32
        %dma_start3A_292 = arith.constant 0 : i32
        %dma_start3A_293 = tpu.memref_slice %arg9[%dma_start3A_291, %dma_start3A_292] : memref<10240x128xf32, #tpu.memory_space<vmem_shared>> -> memref<10240x128xf32, #tpu.memory_space<vmem_shared>>
        tpu.enqueue_indirect_dma source(%arg20 : memref<40x128xf32, #tpu.memory_space<vmem>>) target(%dma_start3A_293 : memref<10240x128xf32, #tpu.memory_space<vmem_shared>>) offsets(%arg13 : memref<40xi32, #tpu.memory_space<vmem>>) semaphore(%run_scoped3A : memref<!tpu.dma_semaphore, #tpu.memory_space<semaphore_mem>>) {add = true}
        %dma_wait3A_294 = arith.constant 0 : i32
        %dma_wait3A_295 = arith.constant 0 : i32
        %dma_wait3A_296 = tpu.memref_slice %arg9[%dma_wait3A_294, %dma_wait3A_295] : memref<10240x128xf32, #tpu.memory_space<vmem_shared>> -> memref<10240x128xf32, #tpu.memory_space<vmem_shared>>
        tpu.wait_indirect_dma semaphore(%run_scoped3A : memref<!tpu.dma_semaphore, #tpu.memory_space<semaphore_mem>>) src(%arg20 : memref<40x128xf32, #tpu.memory_space<vmem>>) dst(%dma_wait3A_296 : memref<10240x128xf32, #tpu.memory_space<vmem_shared>>)
        tpu.yield
      }) : () -> ()
      "tpu.region"() ({
        %run_scoped3A = tpu.sem_alloc : memref<!tpu.dma_semaphore, #tpu.memory_space<semaphore_mem>>
        %dma_start3A_291 = arith.constant 0 : i32
        %dma_start3A_292 = tpu.memref_slice %arg10[%dma_start3A_291] : memref<10240xf32, #tpu.memory_space<vmem_shared>> -> memref<10240xf32, #tpu.memory_space<vmem_shared>>
        tpu.enqueue_indirect_dma source(%arg21 : memref<40xf32, #tpu.memory_space<vmem>>) target(%dma_start3A_292 : memref<10240xf32, #tpu.memory_space<vmem_shared>>) offsets(%arg13 : memref<40xi32, #tpu.memory_space<vmem>>) semaphore(%run_scoped3A : memref<!tpu.dma_semaphore, #tpu.memory_space<semaphore_mem>>) {add = true}
        %dma_wait3A_293 = arith.constant 0 : i32
        %dma_wait3A_294 = tpu.memref_slice %arg10[%dma_wait3A_293] : memref<10240xf32, #tpu.memory_space<vmem_shared>> -> memref<10240xf32, #tpu.memory_space<vmem_shared>>
        tpu.wait_indirect_dma semaphore(%run_scoped3A : memref<!tpu.dma_semaphore, #tpu.memory_space<semaphore_mem>>) src(%arg21 : memref<40xf32, #tpu.memory_space<vmem>>) dst(%dma_wait3A_294 : memref<10240xf32, #tpu.memory_space<vmem_shared>>)
        tpu.yield
      }) : () -> ()
      %mul3A_191 = arith.constant 2 : i32
      %mul3A_192 = arith.muli %mul3A_191, %add3A_162 : i32
      %add3A_193 = arith.constant 1 : i32
      %add3A_194 = arith.addi %mul3A_192, %add3A_193 : i32
      %mul3A_195 = arith.constant 40 : i32
      %mul3A_196 = arith.muli %add3A_194, %mul3A_195 : i32
      %add3A_197 = arith.addi %mul3A_49, %mul3A_196 : i32
      %dma_start3A_198 = arith.constant 0 : i32
      %dma_start3A_199 = tpu.memref_slice %arg3[%add3A_197, %dma_start3A_198] : memref<320000x128xf32, #tpu.memory_space<hbm>> -> memref<40x128xf32, #tpu.memory_space<hbm>>
      %dma_start3A_200 = arith.constant 0 : i32
      %dma_start3A_201 = tpu.memref_slice %arg3[%add3A_197, %dma_start3A_200] : memref<320000x128xf32, #tpu.memory_space<hbm>> -> memref<40x128xf32, #tpu.memory_space<hbm>>
      tpu.enqueue_dma source(%dma_start3A_201 : memref<40x128xf32, #tpu.memory_space<hbm>>) target(%arg19 : memref<40x128xf32, #tpu.memory_space<vmem>>) target_semaphore(%arg28 : memref<!tpu.dma_semaphore, #tpu.memory_space<semaphore_mem>>)
      %mul3A_202 = arith.constant 2 : i32
      %mul3A_203 = arith.muli %mul3A_202, %add3A_162 : i32
      %add3A_204 = arith.constant 2 : i32
      %add3A_205 = arith.addi %mul3A_203, %add3A_204 : i32
      %mul3A_206 = arith.constant 40 : i32
      %mul3A_207 = arith.muli %add3A_205, %mul3A_206 : i32
      %add3A_208 = arith.addi %mul3A_49, %mul3A_207 : i32
      %dma_start3A_209 = tpu.memref_slice %arg5[%add3A_208] : memref<320000xi32, #tpu.memory_space<hbm>> -> memref<40xi32, #tpu.memory_space<hbm>>
      %dma_start3A_210 = tpu.memref_slice %arg5[%add3A_208] : memref<320000xi32, #tpu.memory_space<hbm>> -> memref<40xi32, #tpu.memory_space<hbm>>
      tpu.enqueue_dma source(%dma_start3A_210 : memref<40xi32, #tpu.memory_space<hbm>>) target(%arg11 : memref<40xi32, #tpu.memory_space<vmem>>) target_semaphore(%arg24 : memref<!tpu.dma_semaphore, #tpu.memory_space<semaphore_mem>>)
      %dma_start3A_211 = tpu.memref_slice %arg6[%add3A_208] : memref<320000xi32, #tpu.memory_space<hbm>> -> memref<40xi32, #tpu.memory_space<hbm>>
      %dma_start3A_212 = tpu.memref_slice %arg6[%add3A_208] : memref<320000xi32, #tpu.memory_space<hbm>> -> memref<40xi32, #tpu.memory_space<hbm>>
      tpu.enqueue_dma source(%dma_start3A_212 : memref<40xi32, #tpu.memory_space<hbm>>) target(%arg13 : memref<40xi32, #tpu.memory_space<vmem>>) target_semaphore(%arg24 : memref<!tpu.dma_semaphore, #tpu.memory_space<semaphore_mem>>)
      %dma_start3A_213 = arith.constant 0 : i32
      %dma_start3A_214 = tpu.memref_slice %arg15[%dma_start3A_213] : memref<56xf32, #tpu.memory_space<vmem>> -> memref<40xf32, #tpu.memory_space<vmem>>
      %dma_start3A_215 = tpu.memref_slice %arg4[%add3A_208] : memref<320000xf32, #tpu.memory_space<hbm>> -> memref<40xf32, #tpu.memory_space<hbm>>
      %dma_start3A_216 = arith.constant 0 : i32
      %dma_start3A_217 = tpu.memref_slice %arg15[%dma_start3A_216] : memref<56xf32, #tpu.memory_space<vmem>> -> memref<40xf32, #tpu.memory_space<vmem>>
      %dma_start3A_218 = tpu.memref_slice %arg4[%add3A_208] : memref<320000xf32, #tpu.memory_space<hbm>> -> memref<40xf32, #tpu.memory_space<hbm>>
      tpu.enqueue_dma source(%dma_start3A_218 : memref<40xf32, #tpu.memory_space<hbm>>) target(%dma_start3A_217 : memref<40xf32, #tpu.memory_space<vmem>>) target_semaphore(%arg24 : memref<!tpu.dma_semaphore, #tpu.memory_space<semaphore_mem>>)
      %dma_wait3A_219 = arith.constant 0 : i32
      %dma_wait3A_220 = arith.constant 0 : i32
      %dma_wait3A_221 = tpu.memref_slice %arg2[%dma_wait3A_219, %dma_wait3A_220] : memref<10000x128xf32, #tpu.memory_space<hbm>> -> memref<10000x128xf32, #tpu.memory_space<hbm>>
      tpu.wait_indirect_dma semaphore(%arg27 : memref<!tpu.dma_semaphore, #tpu.memory_space<semaphore_mem>>) src(%dma_wait3A_221 : memref<10000x128xf32, #tpu.memory_space<hbm>>) dst(%arg18 : memref<40x128xf32, #tpu.memory_space<vmem>>)
      %dma_wait3A_222 = arith.constant 0 : i32
      %dma_wait3A_223 = tpu.memref_slice %arg3[%add3A_197, %dma_wait3A_222] : memref<320000x128xf32, #tpu.memory_space<hbm>> -> memref<40x128xf32, #tpu.memory_space<hbm>>
      %dma_wait3A_224 = arith.constant 0 : i32
      %dma_wait3A_225 = tpu.memref_slice %arg3[%add3A_197, %dma_wait3A_224] : memref<320000x128xf32, #tpu.memory_space<hbm>> -> memref<40x128xf32, #tpu.memory_space<hbm>>
      tpu.wait_dma2 semaphore(%arg28 : memref<!tpu.dma_semaphore, #tpu.memory_space<semaphore_mem>>) src(%dma_wait3A_225 : memref<40x128xf32, #tpu.memory_space<hbm>>) dst(%arg19 : memref<40x128xf32, #tpu.memory_space<vmem>>)
      %dma_wait3A_226 = arith.constant 0 : i32
      %dma_wait3A_227 = tpu.memref_slice %arg5[%dma_wait3A_226] : memref<320000xi32, #tpu.memory_space<hbm>> -> memref<40xi32, #tpu.memory_space<hbm>>
      %dma_wait3A_228 = arith.constant 0 : i32
      %dma_wait3A_229 = tpu.memref_slice %arg5[%dma_wait3A_228] : memref<320000xi32, #tpu.memory_space<hbm>> -> memref<40xi32, #tpu.memory_space<hbm>>
      tpu.wait_dma2 semaphore(%arg24 : memref<!tpu.dma_semaphore, #tpu.memory_space<semaphore_mem>>) src(%dma_wait3A_229 : memref<40xi32, #tpu.memory_space<hbm>>) dst(%arg11 : memref<40xi32, #tpu.memory_space<vmem>>)
      %dma_wait3A_230 = arith.constant 0 : i32
      %dma_wait3A_231 = tpu.memref_slice %arg6[%dma_wait3A_230] : memref<320000xi32, #tpu.memory_space<hbm>> -> memref<40xi32, #tpu.memory_space<hbm>>
      %dma_wait3A_232 = arith.constant 0 : i32
      %dma_wait3A_233 = tpu.memref_slice %arg6[%dma_wait3A_232] : memref<320000xi32, #tpu.memory_space<hbm>> -> memref<40xi32, #tpu.memory_space<hbm>>
      tpu.wait_dma2 semaphore(%arg24 : memref<!tpu.dma_semaphore, #tpu.memory_space<semaphore_mem>>) src(%dma_wait3A_233 : memref<40xi32, #tpu.memory_space<hbm>>) dst(%arg13 : memref<40xi32, #tpu.memory_space<vmem>>)
      %dma_wait3A_234 = arith.constant 0 : i32
      %dma_wait3A_235 = tpu.memref_slice %arg15[%dma_wait3A_234] : memref<56xf32, #tpu.memory_space<vmem>> -> memref<40xf32, #tpu.memory_space<vmem>>
      %dma_wait3A_236 = arith.constant 0 : i32
      %dma_wait3A_237 = tpu.memref_slice %arg4[%dma_wait3A_236] : memref<320000xf32, #tpu.memory_space<hbm>> -> memref<40xf32, #tpu.memory_space<hbm>>
      %dma_wait3A_238 = arith.constant 0 : i32
      %dma_wait3A_239 = tpu.memref_slice %arg15[%dma_wait3A_238] : memref<56xf32, #tpu.memory_space<vmem>> -> memref<40xf32, #tpu.memory_space<vmem>>
      %dma_wait3A_240 = arith.constant 0 : i32
      %dma_wait3A_241 = tpu.memref_slice %arg4[%dma_wait3A_240] : memref<320000xf32, #tpu.memory_space<hbm>> -> memref<40xf32, #tpu.memory_space<hbm>>
      tpu.wait_dma2 semaphore(%arg24 : memref<!tpu.dma_semaphore, #tpu.memory_space<semaphore_mem>>) src(%dma_wait3A_241 : memref<40xf32, #tpu.memory_space<hbm>>) dst(%dma_wait3A_239 : memref<40xf32, #tpu.memory_space<vmem>>)
      %dma_start3A_242 = arith.constant 0 : i32
      %dma_start3A_243 = arith.constant 0 : i32
      %dma_start3A_244 = tpu.memref_slice %arg2[%dma_start3A_242, %dma_start3A_243] : memref<10000x128xf32, #tpu.memory_space<hbm>> -> memref<10000x128xf32, #tpu.memory_space<hbm>>
      tpu.enqueue_indirect_dma source(%dma_start3A_244 : memref<10000x128xf32, #tpu.memory_space<hbm>>) target(%arg17 : memref<40x128xf32, #tpu.memory_space<vmem>>) offsets(%arg11 : memref<40xi32, #tpu.memory_space<vmem>>) semaphore(%arg26 : memref<!tpu.dma_semaphore, #tpu.memory_space<semaphore_mem>>)
      %mul3A_245 = arith.constant 2 : i32
      %mul3A_246 = arith.muli %mul3A_245, %add3A_162 : i32
      %add3A_247 = arith.constant 1 : i32
      %add3A_248 = arith.addi %mul3A_246, %add3A_247 : i32
      %mul3A_249 = arith.constant 40 : i32
      %mul3A_250 = arith.muli %add3A_248, %mul3A_249 : i32
      %scan3A_251 = arith.constant 0 : i32
      %scan3A_252 = arith.constant 40 : i32
      %scan3A_253 = arith.addi %scan3A_251, %scan3A_252 : i32
      %scan3A_254 = arith.constant 1 : i32
      scf.for %scan3A_291 = %scan3A_251 to %scan3A_253 step %scan3A_254  : i32 {
        %mul3A_292 = arith.constant 1 : i32
        %mul3A_293 = arith.muli %scan3A_291, %mul3A_292 : i32
        %add3A_294 = arith.constant 0 : i32
        %add3A_295 = arith.addi %add3A_294, %mul3A_293 : i32
        %get3A = arith.index_cast %add3A_295 : i32 to index
        %get3A_296 = tpu.vector_load %arg16[%get3A] {strides = array<i32>} : memref<56xf32, #tpu.memory_space<vmem>>, vector<16xf32>,
        %get3A_297 = vector.shape_cast %get3A_296 : vector<16xf32> to vector<16xf32>
        %slice3A = vector.extract_strided_slice %get3A_297 {offsets = [0], sizes = [1], strides = [1]} : vector<16xf32> to vector<1xf32>
        %squeeze3A = vector.extract %slice3A[0] : f32 from vector<1xf32>
        %get3A_298 = arith.index_cast %add3A_295 : i32 to index
        %get3A_299 = arith.constant 0 : index
        %get3A_300 = tpu.vector_load %arg18[%get3A_298, %get3A_299] {strides = array<i32>} : memref<40x128xf32, #tpu.memory_space<vmem>>, vector<1x16xf32>,
        %get3A_301 = vector.shape_cast %get3A_300 : vector<1x16xf32> to vector<16xf32>
        %get3A_302 = arith.index_cast %add3A_295 : i32 to index
        %get3A_303 = arith.constant 0 : index
        %get3A_304 = tpu.vector_load %arg19[%get3A_302, %get3A_303] {strides = array<i32>} : memref<40x128xf32, #tpu.memory_space<vmem>>, vector<1x16xf32>,
        %get3A_305 = vector.shape_cast %get3A_304 : vector<1x16xf32> to vector<16xf32>
        %mul3A_306 = arith.mulf %get3A_301, %get3A_305 : vector<16xf32>
        %mul3A_307 = vector.broadcast %squeeze3A : f32 to vector<16xf32>
        %mul3A_308 = arith.mulf %mul3A_306, %mul3A_307 : vector<16xf32>
        %swap3A_309 = arith.index_cast %add3A_295 : i32 to index
        %swap3A_310 = arith.constant 0 : index
        %swap3A_311 = tpu.vector_load %arg20[%swap3A_309, %swap3A_310] {strides = array<i32>} : memref<40x128xf32, #tpu.memory_space<vmem>>, vector<1x16xf32>,
        %swap3A_312 = vector.shape_cast %swap3A_311 : vector<1x16xf32> to vector<16xf32>
        %swap3A_313 = vector.shape_cast %mul3A_308 : vector<16xf32> to vector<1x16xf32>
        tpu.vector_store %arg20[%swap3A_309, %swap3A_310], %swap3A_313 {strides = array<i32>} : memref<40x128xf32, #tpu.memory_space<vmem>>, vector<1x16xf32>,
        %get3A_314 = arith.index_cast %add3A_295 : i32 to index
        %get3A_315 = arith.constant 16 : index
        %get3A_316 = tpu.vector_load %arg18[%get3A_314, %get3A_315] {strides = array<i32>} : memref<40x128xf32, #tpu.memory_space<vmem>>, vector<1x16xf32>,
        %get3A_317 = vector.shape_cast %get3A_316 : vector<1x16xf32> to vector<16xf32>
        %get3A_318 = arith.index_cast %add3A_295 : i32 to index
        %get3A_319 = arith.constant 16 : index
        %get3A_320 = tpu.vector_load %arg19[%get3A_318, %get3A_319] {strides = array<i32>} : memref<40x128xf32, #tpu.memory_space<vmem>>, vector<1x16xf32>,
        %get3A_321 = vector.shape_cast %get3A_320 : vector<1x16xf32> to vector<16xf32>
        %mul3A_322 = arith.mulf %get3A_317, %get3A_321 : vector<16xf32>
        %mul3A_323 = vector.broadcast %squeeze3A : f32 to vector<16xf32>
        %mul3A_324 = arith.mulf %mul3A_322, %mul3A_323 : vector<16xf32>
        %swap3A_325 = arith.index_cast %add3A_295 : i32 to index
        %swap3A_326 = arith.constant 16 : index
        %swap3A_327 = tpu.vector_load %arg20[%swap3A_325, %swap3A_326] {strides = array<i32>} : memref<40x128xf32, #tpu.memory_space<vmem>>, vector<1x16xf32>,
        %swap3A_328 = vector.shape_cast %swap3A_327 : vector<1x16xf32> to vector<16xf32>
        %swap3A_329 = vector.shape_cast %mul3A_324 : vector<16xf32> to vector<1x16xf32>
        tpu.vector_store %arg20[%swap3A_325, %swap3A_326], %swap3A_329 {strides = array<i32>} : memref<40x128xf32, #tpu.memory_space<vmem>>, vector<1x16xf32>,
        %get3A_330 = arith.index_cast %add3A_295 : i32 to index
        %get3A_331 = arith.constant 32 : index
        %get3A_332 = tpu.vector_load %arg18[%get3A_330, %get3A_331] {strides = array<i32>} : memref<40x128xf32, #tpu.memory_space<vmem>>, vector<1x16xf32>,
        %get3A_333 = vector.shape_cast %get3A_332 : vector<1x16xf32> to vector<16xf32>
        %get3A_334 = arith.index_cast %add3A_295 : i32 to index
        %get3A_335 = arith.constant 32 : index
        %get3A_336 = tpu.vector_load %arg19[%get3A_334, %get3A_335] {strides = array<i32>} : memref<40x128xf32, #tpu.memory_space<vmem>>, vector<1x16xf32>,
        %get3A_337 = vector.shape_cast %get3A_336 : vector<1x16xf32> to vector<16xf32>
        %mul3A_338 = arith.mulf %get3A_333, %get3A_337 : vector<16xf32>
        %mul3A_339 = vector.broadcast %squeeze3A : f32 to vector<16xf32>
        %mul3A_340 = arith.mulf %mul3A_338, %mul3A_339 : vector<16xf32>
        %swap3A_341 = arith.index_cast %add3A_295 : i32 to index
        %swap3A_342 = arith.constant 32 : index
        %swap3A_343 = tpu.vector_load %arg20[%swap3A_341, %swap3A_342] {strides = array<i32>} : memref<40x128xf32, #tpu.memory_space<vmem>>, vector<1x16xf32>,
        %swap3A_344 = vector.shape_cast %swap3A_343 : vector<1x16xf32> to vector<16xf32>
        %swap3A_345 = vector.shape_cast %mul3A_340 : vector<16xf32> to vector<1x16xf32>
        tpu.vector_store %arg20[%swap3A_341, %swap3A_342], %swap3A_345 {strides = array<i32>} : memref<40x128xf32, #tpu.memory_space<vmem>>, vector<1x16xf32>,
        %get3A_346 = arith.index_cast %add3A_295 : i32 to index
        %get3A_347 = arith.constant 48 : index
        %get3A_348 = tpu.vector_load %arg18[%get3A_346, %get3A_347] {strides = array<i32>} : memref<40x128xf32, #tpu.memory_space<vmem>>, vector<1x16xf32>,
        %get3A_349 = vector.shape_cast %get3A_348 : vector<1x16xf32> to vector<16xf32>
        %get3A_350 = arith.index_cast %add3A_295 : i32 to index
        %get3A_351 = arith.constant 48 : index
        %get3A_352 = tpu.vector_load %arg19[%get3A_350, %get3A_351] {strides = array<i32>} : memref<40x128xf32, #tpu.memory_space<vmem>>, vector<1x16xf32>,
        %get3A_353 = vector.shape_cast %get3A_352 : vector<1x16xf32> to vector<16xf32>
        %mul3A_354 = arith.mulf %get3A_349, %get3A_353 : vector<16xf32>
        %mul3A_355 = vector.broadcast %squeeze3A : f32 to vector<16xf32>
        %mul3A_356 = arith.mulf %mul3A_354, %mul3A_355 : vector<16xf32>
        %swap3A_357 = arith.index_cast %add3A_295 : i32 to index
        %swap3A_358 = arith.constant 48 : index
        %swap3A_359 = tpu.vector_load %arg20[%swap3A_357, %swap3A_358] {strides = array<i32>} : memref<40x128xf32, #tpu.memory_space<vmem>>, vector<1x16xf32>,
        %swap3A_360 = vector.shape_cast %swap3A_359 : vector<1x16xf32> to vector<16xf32>
        %swap3A_361 = vector.shape_cast %mul3A_356 : vector<16xf32> to vector<1x16xf32>
        tpu.vector_store %arg20[%swap3A_357, %swap3A_358], %swap3A_361 {strides = array<i32>} : memref<40x128xf32, #tpu.memory_space<vmem>>, vector<1x16xf32>,
        %get3A_362 = arith.index_cast %add3A_295 : i32 to index
        %get3A_363 = arith.constant 64 : index
        %get3A_364 = tpu.vector_load %arg18[%get3A_362, %get3A_363] {strides = array<i32>} : memref<40x128xf32, #tpu.memory_space<vmem>>, vector<1x16xf32>,
        %get3A_365 = vector.shape_cast %get3A_364 : vector<1x16xf32> to vector<16xf32>
        %get3A_366 = arith.index_cast %add3A_295 : i32 to index
        %get3A_367 = arith.constant 64 : index
        %get3A_368 = tpu.vector_load %arg19[%get3A_366, %get3A_367] {strides = array<i32>} : memref<40x128xf32, #tpu.memory_space<vmem>>, vector<1x16xf32>,
        %get3A_369 = vector.shape_cast %get3A_368 : vector<1x16xf32> to vector<16xf32>
        %mul3A_370 = arith.mulf %get3A_365, %get3A_369 : vector<16xf32>
        %mul3A_371 = vector.broadcast %squeeze3A : f32 to vector<16xf32>
        %mul3A_372 = arith.mulf %mul3A_370, %mul3A_371 : vector<16xf32>
        %swap3A_373 = arith.index_cast %add3A_295 : i32 to index
        %swap3A_374 = arith.constant 64 : index
        %swap3A_375 = tpu.vector_load %arg20[%swap3A_373, %swap3A_374] {strides = array<i32>} : memref<40x128xf32, #tpu.memory_space<vmem>>, vector<1x16xf32>,
        %swap3A_376 = vector.shape_cast %swap3A_375 : vector<1x16xf32> to vector<16xf32>
        %swap3A_377 = vector.shape_cast %mul3A_372 : vector<16xf32> to vector<1x16xf32>
        tpu.vector_store %arg20[%swap3A_373, %swap3A_374], %swap3A_377 {strides = array<i32>} : memref<40x128xf32, #tpu.memory_space<vmem>>, vector<1x16xf32>,
        %get3A_378 = arith.index_cast %add3A_295 : i32 to index
        %get3A_379 = arith.constant 80 : index
        %get3A_380 = tpu.vector_load %arg18[%get3A_378, %get3A_379] {strides = array<i32>} : memref<40x128xf32, #tpu.memory_space<vmem>>, vector<1x16xf32>,
        %get3A_381 = vector.shape_cast %get3A_380 : vector<1x16xf32> to vector<16xf32>
        %get3A_382 = arith.index_cast %add3A_295 : i32 to index
        %get3A_383 = arith.constant 80 : index
        %get3A_384 = tpu.vector_load %arg19[%get3A_382, %get3A_383] {strides = array<i32>} : memref<40x128xf32, #tpu.memory_space<vmem>>, vector<1x16xf32>,
        %get3A_385 = vector.shape_cast %get3A_384 : vector<1x16xf32> to vector<16xf32>
        %mul3A_386 = arith.mulf %get3A_381, %get3A_385 : vector<16xf32>
        %mul3A_387 = vector.broadcast %squeeze3A : f32 to vector<16xf32>
        %mul3A_388 = arith.mulf %mul3A_386, %mul3A_387 : vector<16xf32>
        %swap3A_389 = arith.index_cast %add3A_295 : i32 to index
        %swap3A_390 = arith.constant 80 : index
        %swap3A_391 = tpu.vector_load %arg20[%swap3A_389, %swap3A_390] {strides = array<i32>} : memref<40x128xf32, #tpu.memory_space<vmem>>, vector<1x16xf32>,
        %swap3A_392 = vector.shape_cast %swap3A_391 : vector<1x16xf32> to vector<16xf32>
        %swap3A_393 = vector.shape_cast %mul3A_388 : vector<16xf32> to vector<1x16xf32>
        tpu.vector_store %arg20[%swap3A_389, %swap3A_390], %swap3A_393 {strides = array<i32>} : memref<40x128xf32, #tpu.memory_space<vmem>>, vector<1x16xf32>,
        %get3A_394 = arith.index_cast %add3A_295 : i32 to index
        %get3A_395 = arith.constant 96 : index
        %get3A_396 = tpu.vector_load %arg18[%get3A_394, %get3A_395] {strides = array<i32>} : memref<40x128xf32, #tpu.memory_space<vmem>>, vector<1x16xf32>,
        %get3A_397 = vector.shape_cast %get3A_396 : vector<1x16xf32> to vector<16xf32>
        %get3A_398 = arith.index_cast %add3A_295 : i32 to index
        %get3A_399 = arith.constant 96 : index
        %get3A_400 = tpu.vector_load %arg19[%get3A_398, %get3A_399] {strides = array<i32>} : memref<40x128xf32, #tpu.memory_space<vmem>>, vector<1x16xf32>,
        %get3A_401 = vector.shape_cast %get3A_400 : vector<1x16xf32> to vector<16xf32>
        %mul3A_402 = arith.mulf %get3A_397, %get3A_401 : vector<16xf32>
        %mul3A_403 = vector.broadcast %squeeze3A : f32 to vector<16xf32>
        %mul3A_404 = arith.mulf %mul3A_402, %mul3A_403 : vector<16xf32>
        %swap3A_405 = arith.index_cast %add3A_295 : i32 to index
        %swap3A_406 = arith.constant 96 : index
        %swap3A_407 = tpu.vector_load %arg20[%swap3A_405, %swap3A_406] {strides = array<i32>} : memref<40x128xf32, #tpu.memory_space<vmem>>, vector<1x16xf32>,
        %swap3A_408 = vector.shape_cast %swap3A_407 : vector<1x16xf32> to vector<16xf32>
        %swap3A_409 = vector.shape_cast %mul3A_404 : vector<16xf32> to vector<1x16xf32>
        tpu.vector_store %arg20[%swap3A_405, %swap3A_406], %swap3A_409 {strides = array<i32>} : memref<40x128xf32, #tpu.memory_space<vmem>>, vector<1x16xf32>,
        %get3A_410 = arith.index_cast %add3A_295 : i32 to index
        %get3A_411 = arith.constant 112 : index
        %get3A_412 = tpu.vector_load %arg18[%get3A_410, %get3A_411] {strides = array<i32>} : memref<40x128xf32, #tpu.memory_space<vmem>>, vector<1x16xf32>,
        %get3A_413 = vector.shape_cast %get3A_412 : vector<1x16xf32> to vector<16xf32>
        %get3A_414 = arith.index_cast %add3A_295 : i32 to index
        %get3A_415 = arith.constant 112 : index
        %get3A_416 = tpu.vector_load %arg19[%get3A_414, %get3A_415] {strides = array<i32>} : memref<40x128xf32, #tpu.memory_space<vmem>>, vector<1x16xf32>,
        %get3A_417 = vector.shape_cast %get3A_416 : vector<1x16xf32> to vector<16xf32>
        %mul3A_418 = arith.mulf %get3A_413, %get3A_417 : vector<16xf32>
        %mul3A_419 = vector.broadcast %squeeze3A : f32 to vector<16xf32>
        %mul3A_420 = arith.mulf %mul3A_418, %mul3A_419 : vector<16xf32>
        %swap3A_421 = arith.index_cast %add3A_295 : i32 to index
        %swap3A_422 = arith.constant 112 : index
        %swap3A_423 = tpu.vector_load %arg20[%swap3A_421, %swap3A_422] {strides = array<i32>} : memref<40x128xf32, #tpu.memory_space<vmem>>, vector<1x16xf32>,
        %swap3A_424 = vector.shape_cast %swap3A_423 : vector<1x16xf32> to vector<16xf32>
        %swap3A_425 = vector.shape_cast %mul3A_420 : vector<16xf32> to vector<1x16xf32>
        tpu.vector_store %arg20[%swap3A_421, %swap3A_422], %swap3A_425 {strides = array<i32>} : memref<40x128xf32, #tpu.memory_space<vmem>>, vector<1x16xf32>,
      }
      %scan3A_255 = arith.constant 40 : i32
      "tpu.region"() ({
        %run_scoped3A = tpu.sem_alloc : memref<!tpu.dma_semaphore, #tpu.memory_space<semaphore_mem>>
        %dma_start3A_291 = arith.constant 0 : i32
        %dma_start3A_292 = arith.constant 0 : i32
        %dma_start3A_293 = tpu.memref_slice %arg9[%dma_start3A_291, %dma_start3A_292] : memref<10240x128xf32, #tpu.memory_space<vmem_shared>> -> memref<10240x128xf32, #tpu.memory_space<vmem_shared>>
        tpu.enqueue_indirect_dma source(%arg20 : memref<40x128xf32, #tpu.memory_space<vmem>>) target(%dma_start3A_293 : memref<10240x128xf32, #tpu.memory_space<vmem_shared>>) offsets(%arg14 : memref<40xi32, #tpu.memory_space<vmem>>) semaphore(%run_scoped3A : memref<!tpu.dma_semaphore, #tpu.memory_space<semaphore_mem>>) {add = true}
        %dma_wait3A_294 = arith.constant 0 : i32
        %dma_wait3A_295 = arith.constant 0 : i32
        %dma_wait3A_296 = tpu.memref_slice %arg9[%dma_wait3A_294, %dma_wait3A_295] : memref<10240x128xf32, #tpu.memory_space<vmem_shared>> -> memref<10240x128xf32, #tpu.memory_space<vmem_shared>>
        tpu.wait_indirect_dma semaphore(%run_scoped3A : memref<!tpu.dma_semaphore, #tpu.memory_space<semaphore_mem>>) src(%arg20 : memref<40x128xf32, #tpu.memory_space<vmem>>) dst(%dma_wait3A_296 : memref<10240x128xf32, #tpu.memory_space<vmem_shared>>)
        tpu.yield
      }) : () -> ()
      "tpu.region"() ({
        %run_scoped3A = tpu.sem_alloc : memref<!tpu.dma_semaphore, #tpu.memory_space<semaphore_mem>>
        %dma_start3A_291 = arith.constant 0 : i32
        %dma_start3A_292 = tpu.memref_slice %arg10[%dma_start3A_291] : memref<10240xf32, #tpu.memory_space<vmem_shared>> -> memref<10240xf32, #tpu.memory_space<vmem_shared>>
        tpu.enqueue_indirect_dma source(%arg21 : memref<40xf32, #tpu.memory_space<vmem>>) target(%dma_start3A_292 : memref<10240xf32, #tpu.memory_space<vmem_shared>>) offsets(%arg14 : memref<40xi32, #tpu.memory_space<vmem>>) semaphore(%run_scoped3A : memref<!tpu.dma_semaphore, #tpu.memory_space<semaphore_mem>>) {add = true}
        %dma_wait3A_293 = arith.constant 0 : i32
        %dma_wait3A_294 = tpu.memref_slice %arg10[%dma_wait3A_293] : memref<10240xf32, #tpu.memory_space<vmem_shared>> -> memref<10240xf32, #tpu.memory_space<vmem_shared>>
        tpu.wait_indirect_dma semaphore(%run_scoped3A : memref<!tpu.dma_semaphore, #tpu.memory_space<semaphore_mem>>) src(%arg21 : memref<40xf32, #tpu.memory_space<vmem>>) dst(%dma_wait3A_294 : memref<10240xf32, #tpu.memory_space<vmem_shared>>)
        tpu.yield
      }) : () -> ()
      %mul3A_256 = arith.constant 2 : i32
      %mul3A_257 = arith.muli %mul3A_256, %add3A_162 : i32
      %add3A_258 = arith.constant 2 : i32
      %add3A_259 = arith.addi %mul3A_257, %add3A_258 : i32
      %mul3A_260 = arith.constant 40 : i32
      %mul3A_261 = arith.muli %add3A_259, %mul3A_260 : i32
      %add3A_262 = arith.addi %mul3A_49, %mul3A_261 : i32
      %dma_start3A_263 = arith.constant 0 : i32
      %dma_start3A_264 = tpu.memref_slice %arg3[%add3A_262, %dma_start3A_263] : memref<320000x128xf32, #tpu.memory_space<hbm>> -> memref<40x128xf32, #tpu.memory_space<hbm>>
      %dma_start3A_265 = arith.constant 0 : i32
      %dma_start3A_266 = tpu.memref_slice %arg3[%add3A_262, %dma_start3A_265] : memref<320000x128xf32, #tpu.memory_space<hbm>> -> memref<40x128xf32, #tpu.memory_space<hbm>>
      tpu.enqueue_dma source(%dma_start3A_266 : memref<40x128xf32, #tpu.memory_space<hbm>>) target(%arg19 : memref<40x128xf32, #tpu.memory_space<vmem>>) target_semaphore(%arg28 : memref<!tpu.dma_semaphore, #tpu.memory_space<semaphore_mem>>)
      %mul3A_267 = arith.constant 2 : i32
      %mul3A_268 = arith.muli %mul3A_267, %add3A_162 : i32
      %add3A_269 = arith.constant 3 : i32
      %add3A_270 = arith.addi %mul3A_268, %add3A_269 : i32
      %mul3A_271 = arith.constant 40 : i32
      %mul3A_272 = arith.muli %add3A_270, %mul3A_271 : i32
      %add3A_273 = arith.addi %mul3A_49, %mul3A_272 : i32
      %dma_start3A_274 = tpu.memref_slice %arg5[%add3A_273] : memref<320000xi32, #tpu.memory_space<hbm>> -> memref<40xi32, #tpu.memory_space<hbm>>
      %dma_start3A_275 = tpu.memref_slice %arg5[%add3A_273] : memref<320000xi32, #tpu.memory_space<hbm>> -> memref<40xi32, #tpu.memory_space<hbm>>
      tpu.enqueue_dma source(%dma_start3A_275 : memref<40xi32, #tpu.memory_space<hbm>>) target(%arg12 : memref<40xi32, #tpu.memory_space<vmem>>) target_semaphore(%arg25 : memref<!tpu.dma_semaphore, #tpu.memory_space<semaphore_mem>>)
      %dma_start3A_276 = tpu.memref_slice %arg6[%add3A_273] : memref<320000xi32, #tpu.memory_space<hbm>> -> memref<40xi32, #tpu.memory_space<hbm>>
      %dma_start3A_277 = tpu.memref_slice %arg6[%add3A_273] : memref<320000xi32, #tpu.memory_space<hbm>> -> memref<40xi32, #tpu.memory_space<hbm>>
      tpu.enqueue_dma source(%dma_start3A_277 : memref<40xi32, #tpu.memory_space<hbm>>) target(%arg14 : memref<40xi32, #tpu.memory_space<vmem>>) target_semaphore(%arg25 : memref<!tpu.dma_semaphore, #tpu.memory_space<semaphore_mem>>)
      %dma_start3A_278 = arith.constant 0 : i32
      %dma_start3A_279 = tpu.memref_slice %arg16[%dma_start3A_278] : memref<56xf32, #tpu.memory_space<vmem>> -> memref<40xf32, #tpu.memory_space<vmem>>
      %dma_start3A_280 = tpu.memref_slice %arg4[%add3A_273] : memref<320000xf32, #tpu.memory_space<hbm>> -> memref<40xf32, #tpu.memory_space<hbm>>
      %dma_start3A_281 = arith.constant 0 : i32
      %dma_start3A_282 = tpu.memref_slice %arg16[%dma_start3A_281] : memref<56xf32, #tpu.memory_space<vmem>> -> memref<40xf32, #tpu.memory_space<vmem>>
      %dma_start3A_283 = tpu.memref_slice %arg4[%add3A_273] : memref<320000xf32, #tpu.memory_space<hbm>> -> memref<40xf32, #tpu.memory_space<hbm>>
      tpu.enqueue_dma source(%dma_start3A_283 : memref<40xf32, #tpu.memory_space<hbm>>) target(%dma_start3A_282 : memref<40xf32, #tpu.memory_space<vmem>>) target_semaphore(%arg25 : memref<!tpu.dma_semaphore, #tpu.memory_space<semaphore_mem>>)
      %dma_wait3A_284 = arith.constant 0 : i32
      %dma_wait3A_285 = arith.constant 0 : i32
      %dma_wait3A_286 = tpu.memref_slice %arg2[%dma_wait3A_284, %dma_wait3A_285] : memref<10000x128xf32, #tpu.memory_space<hbm>> -> memref<10000x128xf32, #tpu.memory_space<hbm>>
      tpu.wait_indirect_dma semaphore(%arg26 : memref<!tpu.dma_semaphore, #tpu.memory_space<semaphore_mem>>) src(%dma_wait3A_286 : memref<10000x128xf32, #tpu.memory_space<hbm>>) dst(%arg17 : memref<40x128xf32, #tpu.memory_space<vmem>>)
      %dma_wait3A_287 = arith.constant 0 : i32
      %dma_wait3A_288 = tpu.memref_slice %arg3[%add3A_262, %dma_wait3A_287] : memref<320000x128xf32, #tpu.memory_space<hbm>> -> memref<40x128xf32, #tpu.memory_space<hbm>>
      %dma_wait3A_289 = arith.constant 0 : i32
      %dma_wait3A_290 = tpu.memref_slice %arg3[%add3A_262, %dma_wait3A_289] : memref<320000x128xf32, #tpu.memory_space<hbm>> -> memref<40x128xf32, #tpu.memory_space<hbm>>
      tpu.wait_dma2 semaphore(%arg28 : memref<!tpu.dma_semaphore, #tpu.memory_space<semaphore_mem>>) src(%dma_wait3A_290 : memref<40x128xf32, #tpu.memory_space<hbm>>) dst(%arg19 : memref<40x128xf32, #tpu.memory_space<vmem>>)
    }
    %scan3A_106 = arith.constant 124 : i32
    %dma_wait3A_107 = arith.constant 0 : i32
    %dma_wait3A_108 = tpu.memref_slice %arg5[%dma_wait3A_107] : memref<320000xi32, #tpu.memory_space<hbm>> -> memref<40xi32, #tpu.memory_space<hbm>>
    %dma_wait3A_109 = arith.constant 0 : i32
    %dma_wait3A_110 = tpu.memref_slice %arg5[%dma_wait3A_109] : memref<320000xi32, #tpu.memory_space<hbm>> -> memref<40xi32, #tpu.memory_space<hbm>>
    tpu.wait_dma2 semaphore(%arg25 : memref<!tpu.dma_semaphore, #tpu.memory_space<semaphore_mem>>) src(%dma_wait3A_110 : memref<40xi32, #tpu.memory_space<hbm>>) dst(%arg12 : memref<40xi32, #tpu.memory_space<vmem>>)
    %dma_wait3A_111 = arith.constant 0 : i32
    %dma_wait3A_112 = tpu.memref_slice %arg6[%dma_wait3A_111] : memref<320000xi32, #tpu.memory_space<hbm>> -> memref<40xi32, #tpu.memory_space<hbm>>
    %dma_wait3A_113 = arith.constant 0 : i32
    %dma_wait3A_114 = tpu.memref_slice %arg6[%dma_wait3A_113] : memref<320000xi32, #tpu.memory_space<hbm>> -> memref<40xi32, #tpu.memory_space<hbm>>
    tpu.wait_dma2 semaphore(%arg25 : memref<!tpu.dma_semaphore, #tpu.memory_space<semaphore_mem>>) src(%dma_wait3A_114 : memref<40xi32, #tpu.memory_space<hbm>>) dst(%arg14 : memref<40xi32, #tpu.memory_space<vmem>>)
    %dma_wait3A_115 = arith.constant 0 : i32
    %dma_wait3A_116 = tpu.memref_slice %arg16[%dma_wait3A_115] : memref<56xf32, #tpu.memory_space<vmem>> -> memref<40xf32, #tpu.memory_space<vmem>>
    %dma_wait3A_117 = arith.constant 0 : i32
    %dma_wait3A_118 = tpu.memref_slice %arg4[%dma_wait3A_117] : memref<320000xf32, #tpu.memory_space<hbm>> -> memref<40xf32, #tpu.memory_space<hbm>>
    %dma_wait3A_119 = arith.constant 0 : i32
    %dma_wait3A_120 = tpu.memref_slice %arg16[%dma_wait3A_119] : memref<56xf32, #tpu.memory_space<vmem>> -> memref<40xf32, #tpu.memory_space<vmem>>
    %dma_wait3A_121 = arith.constant 0 : i32
    %dma_wait3A_122 = tpu.memref_slice %arg4[%dma_wait3A_121] : memref<320000xf32, #tpu.memory_space<hbm>> -> memref<40xf32, #tpu.memory_space<hbm>>
    tpu.wait_dma2 semaphore(%arg25 : memref<!tpu.dma_semaphore, #tpu.memory_space<semaphore_mem>>) src(%dma_wait3A_122 : memref<40xf32, #tpu.memory_space<hbm>>) dst(%dma_wait3A_120 : memref<40xf32, #tpu.memory_space<vmem>>)
    %dma_start3A_123 = arith.constant 0 : i32
    %dma_start3A_124 = arith.constant 0 : i32
    %dma_start3A_125 = tpu.memref_slice %arg2[%dma_start3A_123, %dma_start3A_124] : memref<10000x128xf32, #tpu.memory_space<hbm>> -> memref<10000x128xf32, #tpu.memory_space<hbm>>
    tpu.enqueue_indirect_dma source(%dma_start3A_125 : memref<10000x128xf32, #tpu.memory_space<hbm>>) target(%arg18 : memref<40x128xf32, #tpu.memory_space<vmem>>) offsets(%arg12 : memref<40xi32, #tpu.memory_space<vmem>>) semaphore(%arg27 : memref<!tpu.dma_semaphore, #tpu.memory_space<semaphore_mem>>)
    %scan3A_126 = arith.constant 0 : i32
    %scan3A_127 = arith.constant 40 : i32
    %scan3A_128 = arith.addi %scan3A_126, %scan3A_127 : i32
    %scan3A_129 = arith.constant 1 : i32
    scf.for %scan3A_158 = %scan3A_126 to %scan3A_128 step %scan3A_129  : i32 {
      %mul3A_159 = arith.constant 1 : i32
      %mul3A_160 = arith.muli %scan3A_158, %mul3A_159 : i32
      %add3A_161 = arith.constant 0 : i32
      %add3A_162 = arith.addi %add3A_161, %mul3A_160 : i32
      %get3A = arith.index_cast %add3A_162 : i32 to index
      %get3A_163 = tpu.vector_load %arg15[%get3A] {strides = array<i32>} : memref<56xf32, #tpu.memory_space<vmem>>, vector<16xf32>,
      %get3A_164 = vector.shape_cast %get3A_163 : vector<16xf32> to vector<16xf32>
      %slice3A = vector.extract_strided_slice %get3A_164 {offsets = [0], sizes = [1], strides = [1]} : vector<16xf32> to vector<1xf32>
      %squeeze3A = vector.extract %slice3A[0] : f32 from vector<1xf32>
      %get3A_165 = arith.index_cast %add3A_162 : i32 to index
      %get3A_166 = arith.constant 0 : index
      %get3A_167 = tpu.vector_load %arg17[%get3A_165, %get3A_166] {strides = array<i32>} : memref<40x128xf32, #tpu.memory_space<vmem>>, vector<1x16xf32>,
      %get3A_168 = vector.shape_cast %get3A_167 : vector<1x16xf32> to vector<16xf32>
      %get3A_169 = arith.index_cast %add3A_162 : i32 to index
      %get3A_170 = arith.constant 0 : index
      %get3A_171 = tpu.vector_load %arg19[%get3A_169, %get3A_170] {strides = array<i32>} : memref<40x128xf32, #tpu.memory_space<vmem>>, vector<1x16xf32>,
      %get3A_172 = vector.shape_cast %get3A_171 : vector<1x16xf32> to vector<16xf32>
      %mul3A_173 = arith.mulf %get3A_168, %get3A_172 : vector<16xf32>
      %mul3A_174 = vector.broadcast %squeeze3A : f32 to vector<16xf32>
      %mul3A_175 = arith.mulf %mul3A_173, %mul3A_174 : vector<16xf32>
      %swap3A_176 = arith.index_cast %add3A_162 : i32 to index
      %swap3A_177 = arith.constant 0 : index
      %swap3A_178 = tpu.vector_load %arg20[%swap3A_176, %swap3A_177] {strides = array<i32>} : memref<40x128xf32, #tpu.memory_space<vmem>>, vector<1x16xf32>,
      %swap3A_179 = vector.shape_cast %swap3A_178 : vector<1x16xf32> to vector<16xf32>
      %swap3A_180 = vector.shape_cast %mul3A_175 : vector<16xf32> to vector<1x16xf32>
      tpu.vector_store %arg20[%swap3A_176, %swap3A_177], %swap3A_180 {strides = array<i32>} : memref<40x128xf32, #tpu.memory_space<vmem>>, vector<1x16xf32>,
      %get3A_181 = arith.index_cast %add3A_162 : i32 to index
      %get3A_182 = arith.constant 16 : index
      %get3A_183 = tpu.vector_load %arg17[%get3A_181, %get3A_182] {strides = array<i32>} : memref<40x128xf32, #tpu.memory_space<vmem>>, vector<1x16xf32>,
      %get3A_184 = vector.shape_cast %get3A_183 : vector<1x16xf32> to vector<16xf32>
      %get3A_185 = arith.index_cast %add3A_162 : i32 to index
      %get3A_186 = arith.constant 16 : index
      %get3A_187 = tpu.vector_load %arg19[%get3A_185, %get3A_186] {strides = array<i32>} : memref<40x128xf32, #tpu.memory_space<vmem>>, vector<1x16xf32>,
      %get3A_188 = vector.shape_cast %get3A_187 : vector<1x16xf32> to vector<16xf32>
      %mul3A_189 = arith.mulf %get3A_184, %get3A_188 : vector<16xf32>
      %mul3A_190 = vector.broadcast %squeeze3A : f32 to vector<16xf32>
      %mul3A_191 = arith.mulf %mul3A_189, %mul3A_190 : vector<16xf32>
      %swap3A_192 = arith.index_cast %add3A_162 : i32 to index
      %swap3A_193 = arith.constant 16 : index
      %swap3A_194 = tpu.vector_load %arg20[%swap3A_192, %swap3A_193] {strides = array<i32>} : memref<40x128xf32, #tpu.memory_space<vmem>>, vector<1x16xf32>,
      %swap3A_195 = vector.shape_cast %swap3A_194 : vector<1x16xf32> to vector<16xf32>
      %swap3A_196 = vector.shape_cast %mul3A_191 : vector<16xf32> to vector<1x16xf32>
      tpu.vector_store %arg20[%swap3A_192, %swap3A_193], %swap3A_196 {strides = array<i32>} : memref<40x128xf32, #tpu.memory_space<vmem>>, vector<1x16xf32>,
      %get3A_197 = arith.index_cast %add3A_162 : i32 to index
      %get3A_198 = arith.constant 32 : index
      %get3A_199 = tpu.vector_load %arg17[%get3A_197, %get3A_198] {strides = array<i32>} : memref<40x128xf32, #tpu.memory_space<vmem>>, vector<1x16xf32>,
      %get3A_200 = vector.shape_cast %get3A_199 : vector<1x16xf32> to vector<16xf32>
      %get3A_201 = arith.index_cast %add3A_162 : i32 to index
      %get3A_202 = arith.constant 32 : index
      %get3A_203 = tpu.vector_load %arg19[%get3A_201, %get3A_202] {strides = array<i32>} : memref<40x128xf32, #tpu.memory_space<vmem>>, vector<1x16xf32>,
      %get3A_204 = vector.shape_cast %get3A_203 : vector<1x16xf32> to vector<16xf32>
      %mul3A_205 = arith.mulf %get3A_200, %get3A_204 : vector<16xf32>
      %mul3A_206 = vector.broadcast %squeeze3A : f32 to vector<16xf32>
      %mul3A_207 = arith.mulf %mul3A_205, %mul3A_206 : vector<16xf32>
      %swap3A_208 = arith.index_cast %add3A_162 : i32 to index
      %swap3A_209 = arith.constant 32 : index
      %swap3A_210 = tpu.vector_load %arg20[%swap3A_208, %swap3A_209] {strides = array<i32>} : memref<40x128xf32, #tpu.memory_space<vmem>>, vector<1x16xf32>,
      %swap3A_211 = vector.shape_cast %swap3A_210 : vector<1x16xf32> to vector<16xf32>
      %swap3A_212 = vector.shape_cast %mul3A_207 : vector<16xf32> to vector<1x16xf32>
      tpu.vector_store %arg20[%swap3A_208, %swap3A_209], %swap3A_212 {strides = array<i32>} : memref<40x128xf32, #tpu.memory_space<vmem>>, vector<1x16xf32>,
      %get3A_213 = arith.index_cast %add3A_162 : i32 to index
      %get3A_214 = arith.constant 48 : index
      %get3A_215 = tpu.vector_load %arg17[%get3A_213, %get3A_214] {strides = array<i32>} : memref<40x128xf32, #tpu.memory_space<vmem>>, vector<1x16xf32>,
      %get3A_216 = vector.shape_cast %get3A_215 : vector<1x16xf32> to vector<16xf32>
      %get3A_217 = arith.index_cast %add3A_162 : i32 to index
      %get3A_218 = arith.constant 48 : index
      %get3A_219 = tpu.vector_load %arg19[%get3A_217, %get3A_218] {strides = array<i32>} : memref<40x128xf32, #tpu.memory_space<vmem>>, vector<1x16xf32>,
      %get3A_220 = vector.shape_cast %get3A_219 : vector<1x16xf32> to vector<16xf32>
      %mul3A_221 = arith.mulf %get3A_216, %get3A_220 : vector<16xf32>
      %mul3A_222 = vector.broadcast %squeeze3A : f32 to vector<16xf32>
      %mul3A_223 = arith.mulf %mul3A_221, %mul3A_222 : vector<16xf32>
      %swap3A_224 = arith.index_cast %add3A_162 : i32 to index
      %swap3A_225 = arith.constant 48 : index
      %swap3A_226 = tpu.vector_load %arg20[%swap3A_224, %swap3A_225] {strides = array<i32>} : memref<40x128xf32, #tpu.memory_space<vmem>>, vector<1x16xf32>,
      %swap3A_227 = vector.shape_cast %swap3A_226 : vector<1x16xf32> to vector<16xf32>
      %swap3A_228 = vector.shape_cast %mul3A_223 : vector<16xf32> to vector<1x16xf32>
      tpu.vector_store %arg20[%swap3A_224, %swap3A_225], %swap3A_228 {strides = array<i32>} : memref<40x128xf32, #tpu.memory_space<vmem>>, vector<1x16xf32>,
      %get3A_229 = arith.index_cast %add3A_162 : i32 to index
      %get3A_230 = arith.constant 64 : index
      %get3A_231 = tpu.vector_load %arg17[%get3A_229, %get3A_230] {strides = array<i32>} : memref<40x128xf32, #tpu.memory_space<vmem>>, vector<1x16xf32>,
      %get3A_232 = vector.shape_cast %get3A_231 : vector<1x16xf32> to vector<16xf32>
      %get3A_233 = arith.index_cast %add3A_162 : i32 to index
      %get3A_234 = arith.constant 64 : index
      %get3A_235 = tpu.vector_load %arg19[%get3A_233, %get3A_234] {strides = array<i32>} : memref<40x128xf32, #tpu.memory_space<vmem>>, vector<1x16xf32>,
      %get3A_236 = vector.shape_cast %get3A_235 : vector<1x16xf32> to vector<16xf32>
      %mul3A_237 = arith.mulf %get3A_232, %get3A_236 : vector<16xf32>
      %mul3A_238 = vector.broadcast %squeeze3A : f32 to vector<16xf32>
      %mul3A_239 = arith.mulf %mul3A_237, %mul3A_238 : vector<16xf32>
      %swap3A_240 = arith.index_cast %add3A_162 : i32 to index
      %swap3A_241 = arith.constant 64 : index
      %swap3A_242 = tpu.vector_load %arg20[%swap3A_240, %swap3A_241] {strides = array<i32>} : memref<40x128xf32, #tpu.memory_space<vmem>>, vector<1x16xf32>,
      %swap3A_243 = vector.shape_cast %swap3A_242 : vector<1x16xf32> to vector<16xf32>
      %swap3A_244 = vector.shape_cast %mul3A_239 : vector<16xf32> to vector<1x16xf32>
      tpu.vector_store %arg20[%swap3A_240, %swap3A_241], %swap3A_244 {strides = array<i32>} : memref<40x128xf32, #tpu.memory_space<vmem>>, vector<1x16xf32>,
      %get3A_245 = arith.index_cast %add3A_162 : i32 to index
      %get3A_246 = arith.constant 80 : index
      %get3A_247 = tpu.vector_load %arg17[%get3A_245, %get3A_246] {strides = array<i32>} : memref<40x128xf32, #tpu.memory_space<vmem>>, vector<1x16xf32>,
      %get3A_248 = vector.shape_cast %get3A_247 : vector<1x16xf32> to vector<16xf32>
      %get3A_249 = arith.index_cast %add3A_162 : i32 to index
      %get3A_250 = arith.constant 80 : index
      %get3A_251 = tpu.vector_load %arg19[%get3A_249, %get3A_250] {strides = array<i32>} : memref<40x128xf32, #tpu.memory_space<vmem>>, vector<1x16xf32>,
      %get3A_252 = vector.shape_cast %get3A_251 : vector<1x16xf32> to vector<16xf32>
      %mul3A_253 = arith.mulf %get3A_248, %get3A_252 : vector<16xf32>
      %mul3A_254 = vector.broadcast %squeeze3A : f32 to vector<16xf32>
      %mul3A_255 = arith.mulf %mul3A_253, %mul3A_254 : vector<16xf32>
      %swap3A_256 = arith.index_cast %add3A_162 : i32 to index
      %swap3A_257 = arith.constant 80 : index
      %swap3A_258 = tpu.vector_load %arg20[%swap3A_256, %swap3A_257] {strides = array<i32>} : memref<40x128xf32, #tpu.memory_space<vmem>>, vector<1x16xf32>,
      %swap3A_259 = vector.shape_cast %swap3A_258 : vector<1x16xf32> to vector<16xf32>
      %swap3A_260 = vector.shape_cast %mul3A_255 : vector<16xf32> to vector<1x16xf32>
      tpu.vector_store %arg20[%swap3A_256, %swap3A_257], %swap3A_260 {strides = array<i32>} : memref<40x128xf32, #tpu.memory_space<vmem>>, vector<1x16xf32>,
      %get3A_261 = arith.index_cast %add3A_162 : i32 to index
      %get3A_262 = arith.constant 96 : index
      %get3A_263 = tpu.vector_load %arg17[%get3A_261, %get3A_262] {strides = array<i32>} : memref<40x128xf32, #tpu.memory_space<vmem>>, vector<1x16xf32>,
      %get3A_264 = vector.shape_cast %get3A_263 : vector<1x16xf32> to vector<16xf32>
      %get3A_265 = arith.index_cast %add3A_162 : i32 to index
      %get3A_266 = arith.constant 96 : index
      %get3A_267 = tpu.vector_load %arg19[%get3A_265, %get3A_266] {strides = array<i32>} : memref<40x128xf32, #tpu.memory_space<vmem>>, vector<1x16xf32>,
      %get3A_268 = vector.shape_cast %get3A_267 : vector<1x16xf32> to vector<16xf32>
      %mul3A_269 = arith.mulf %get3A_264, %get3A_268 : vector<16xf32>
      %mul3A_270 = vector.broadcast %squeeze3A : f32 to vector<16xf32>
      %mul3A_271 = arith.mulf %mul3A_269, %mul3A_270 : vector<16xf32>
      %swap3A_272 = arith.index_cast %add3A_162 : i32 to index
      %swap3A_273 = arith.constant 96 : index
      %swap3A_274 = tpu.vector_load %arg20[%swap3A_272, %swap3A_273] {strides = array<i32>} : memref<40x128xf32, #tpu.memory_space<vmem>>, vector<1x16xf32>,
      %swap3A_275 = vector.shape_cast %swap3A_274 : vector<1x16xf32> to vector<16xf32>
      %swap3A_276 = vector.shape_cast %mul3A_271 : vector<16xf32> to vector<1x16xf32>
      tpu.vector_store %arg20[%swap3A_272, %swap3A_273], %swap3A_276 {strides = array<i32>} : memref<40x128xf32, #tpu.memory_space<vmem>>, vector<1x16xf32>,
      %get3A_277 = arith.index_cast %add3A_162 : i32 to index
      %get3A_278 = arith.constant 112 : index
      %get3A_279 = tpu.vector_load %arg17[%get3A_277, %get3A_278] {strides = array<i32>} : memref<40x128xf32, #tpu.memory_space<vmem>>, vector<1x16xf32>,
      %get3A_280 = vector.shape_cast %get3A_279 : vector<1x16xf32> to vector<16xf32>
      %get3A_281 = arith.index_cast %add3A_162 : i32 to index
      %get3A_282 = arith.constant 112 : index
      %get3A_283 = tpu.vector_load %arg19[%get3A_281, %get3A_282] {strides = array<i32>} : memref<40x128xf32, #tpu.memory_space<vmem>>, vector<1x16xf32>,
      %get3A_284 = vector.shape_cast %get3A_283 : vector<1x16xf32> to vector<16xf32>
      %mul3A_285 = arith.mulf %get3A_280, %get3A_284 : vector<16xf32>
      %mul3A_286 = vector.broadcast %squeeze3A : f32 to vector<16xf32>
      %mul3A_287 = arith.mulf %mul3A_285, %mul3A_286 : vector<16xf32>
      %swap3A_288 = arith.index_cast %add3A_162 : i32 to index
      %swap3A_289 = arith.constant 112 : index
      %swap3A_290 = tpu.vector_load %arg20[%swap3A_288, %swap3A_289] {strides = array<i32>} : memref<40x128xf32, #tpu.memory_space<vmem>>, vector<1x16xf32>,
      %swap3A_291 = vector.shape_cast %swap3A_290 : vector<1x16xf32> to vector<16xf32>
      %swap3A_292 = vector.shape_cast %mul3A_287 : vector<16xf32> to vector<1x16xf32>
      tpu.vector_store %arg20[%swap3A_288, %swap3A_289], %swap3A_292 {strides = array<i32>} : memref<40x128xf32, #tpu.memory_space<vmem>>, vector<1x16xf32>,
    }
    %scan3A_130 = arith.constant 40 : i32
    "tpu.region"() ({
      %run_scoped3A = tpu.sem_alloc : memref<!tpu.dma_semaphore, #tpu.memory_space<semaphore_mem>>
      %dma_start3A_158 = arith.constant 0 : i32
      %dma_start3A_159 = arith.constant 0 : i32
      %dma_start3A_160 = tpu.memref_slice %arg9[%dma_start3A_158, %dma_start3A_159] : memref<10240x128xf32, #tpu.memory_space<vmem_shared>> -> memref<10240x128xf32, #tpu.memory_space<vmem_shared>>
      tpu.enqueue_indirect_dma source(%arg20 : memref<40x128xf32, #tpu.memory_space<vmem>>) target(%dma_start3A_160 : memref<10240x128xf32, #tpu.memory_space<vmem_shared>>) offsets(%arg13 : memref<40xi32, #tpu.memory_space<vmem>>) semaphore(%run_scoped3A : memref<!tpu.dma_semaphore, #tpu.memory_space<semaphore_mem>>) {add = true}
      %dma_wait3A_161 = arith.constant 0 : i32
      %dma_wait3A_162 = arith.constant 0 : i32
      %dma_wait3A_163 = tpu.memref_slice %arg9[%dma_wait3A_161, %dma_wait3A_162] : memref<10240x128xf32, #tpu.memory_space<vmem_shared>> -> memref<10240x128xf32, #tpu.memory_space<vmem_shared>>
      tpu.wait_indirect_dma semaphore(%run_scoped3A : memref<!tpu.dma_semaphore, #tpu.memory_space<semaphore_mem>>) src(%arg20 : memref<40x128xf32, #tpu.memory_space<vmem>>) dst(%dma_wait3A_163 : memref<10240x128xf32, #tpu.memory_space<vmem_shared>>)
      tpu.yield
    }) : () -> ()
    "tpu.region"() ({
      %run_scoped3A = tpu.sem_alloc : memref<!tpu.dma_semaphore, #tpu.memory_space<semaphore_mem>>
      %dma_start3A_158 = arith.constant 0 : i32
      %dma_start3A_159 = tpu.memref_slice %arg10[%dma_start3A_158] : memref<10240xf32, #tpu.memory_space<vmem_shared>> -> memref<10240xf32, #tpu.memory_space<vmem_shared>>
      tpu.enqueue_indirect_dma source(%arg21 : memref<40xf32, #tpu.memory_space<vmem>>) target(%dma_start3A_159 : memref<10240xf32, #tpu.memory_space<vmem_shared>>) offsets(%arg13 : memref<40xi32, #tpu.memory_space<vmem>>) semaphore(%run_scoped3A : memref<!tpu.dma_semaphore, #tpu.memory_space<semaphore_mem>>) {add = true}
      %dma_wait3A_160 = arith.constant 0 : i32
      %dma_wait3A_161 = tpu.memref_slice %arg10[%dma_wait3A_160] : memref<10240xf32, #tpu.memory_space<vmem_shared>> -> memref<10240xf32, #tpu.memory_space<vmem_shared>>
      tpu.wait_indirect_dma semaphore(%run_scoped3A : memref<!tpu.dma_semaphore, #tpu.memory_space<semaphore_mem>>) src(%arg21 : memref<40xf32, #tpu.memory_space<vmem>>) dst(%dma_wait3A_161 : memref<10240xf32, #tpu.memory_space<vmem_shared>>)
      tpu.yield
    }) : () -> ()
    %add3A_131 = arith.constant 9960 : i32
    %add3A_132 = arith.addi %mul3A_49, %add3A_131 : i32
    %dma_start3A_133 = arith.constant 0 : i32
    %dma_start3A_134 = tpu.memref_slice %arg3[%add3A_132, %dma_start3A_133] : memref<320000x128xf32, #tpu.memory_space<hbm>> -> memref<40x128xf32, #tpu.memory_space<hbm>>
    %dma_start3A_135 = arith.constant 0 : i32
    %dma_start3A_136 = tpu.memref_slice %arg3[%add3A_132, %dma_start3A_135] : memref<320000x128xf32, #tpu.memory_space<hbm>> -> memref<40x128xf32, #tpu.memory_space<hbm>>
    tpu.enqueue_dma source(%dma_start3A_136 : memref<40x128xf32, #tpu.memory_space<hbm>>) target(%arg19 : memref<40x128xf32, #tpu.memory_space<vmem>>) target_semaphore(%arg28 : memref<!tpu.dma_semaphore, #tpu.memory_space<semaphore_mem>>)
    %dma_wait3A_137 = arith.constant 0 : i32
    %dma_wait3A_138 = arith.constant 0 : i32
    %dma_wait3A_139 = tpu.memref_slice %arg2[%dma_wait3A_137, %dma_wait3A_138] : memref<10000x128xf32, #tpu.memory_space<hbm>> -> memref<10000x128xf32, #tpu.memory_space<hbm>>
    tpu.wait_indirect_dma semaphore(%arg27 : memref<!tpu.dma_semaphore, #tpu.memory_space<semaphore_mem>>) src(%dma_wait3A_139 : memref<10000x128xf32, #tpu.memory_space<hbm>>) dst(%arg18 : memref<40x128xf32, #tpu.memory_space<vmem>>)
    %dma_wait3A_140 = arith.constant 0 : i32
    %dma_wait3A_141 = tpu.memref_slice %arg3[%add3A_132, %dma_wait3A_140] : memref<320000x128xf32, #tpu.memory_space<hbm>> -> memref<40x128xf32, #tpu.memory_space<hbm>>
    %dma_wait3A_142 = arith.constant 0 : i32
    %dma_wait3A_143 = tpu.memref_slice %arg3[%add3A_132, %dma_wait3A_142] : memref<320000x128xf32, #tpu.memory_space<hbm>> -> memref<40x128xf32, #tpu.memory_space<hbm>>
    tpu.wait_dma2 semaphore(%arg28 : memref<!tpu.dma_semaphore, #tpu.memory_space<semaphore_mem>>) src(%dma_wait3A_143 : memref<40x128xf32, #tpu.memory_space<hbm>>) dst(%arg19 : memref<40x128xf32, #tpu.memory_space<vmem>>)
    %scan3A_144 = arith.constant 0 : i32
    %scan3A_145 = arith.constant 40 : i32
    %scan3A_146 = arith.addi %scan3A_144, %scan3A_145 : i32
    %scan3A_147 = arith.constant 1 : i32
    scf.for %scan3A_158 = %scan3A_144 to %scan3A_146 step %scan3A_147  : i32 {
      %mul3A_159 = arith.constant 1 : i32
      %mul3A_160 = arith.muli %scan3A_158, %mul3A_159 : i32
      %add3A_161 = arith.constant 0 : i32
      %add3A_162 = arith.addi %add3A_161, %mul3A_160 : i32
      %get3A = arith.index_cast %add3A_162 : i32 to index
      %get3A_163 = tpu.vector_load %arg16[%get3A] {strides = array<i32>} : memref<56xf32, #tpu.memory_space<vmem>>, vector<16xf32>,
      %get3A_164 = vector.shape_cast %get3A_163 : vector<16xf32> to vector<16xf32>
      %slice3A = vector.extract_strided_slice %get3A_164 {offsets = [0], sizes = [1], strides = [1]} : vector<16xf32> to vector<1xf32>
      %squeeze3A = vector.extract %slice3A[0] : f32 from vector<1xf32>
      %get3A_165 = arith.index_cast %add3A_162 : i32 to index
      %get3A_166 = arith.constant 0 : index
      %get3A_167 = tpu.vector_load %arg18[%get3A_165, %get3A_166] {strides = array<i32>} : memref<40x128xf32, #tpu.memory_space<vmem>>, vector<1x16xf32>,
      %get3A_168 = vector.shape_cast %get3A_167 : vector<1x16xf32> to vector<16xf32>
      %get3A_169 = arith.index_cast %add3A_162 : i32 to index
      %get3A_170 = arith.constant 0 : index
      %get3A_171 = tpu.vector_load %arg19[%get3A_169, %get3A_170] {strides = array<i32>} : memref<40x128xf32, #tpu.memory_space<vmem>>, vector<1x16xf32>,
      %get3A_172 = vector.shape_cast %get3A_171 : vector<1x16xf32> to vector<16xf32>
      %mul3A_173 = arith.mulf %get3A_168, %get3A_172 : vector<16xf32>
      %mul3A_174 = vector.broadcast %squeeze3A : f32 to vector<16xf32>
      %mul3A_175 = arith.mulf %mul3A_173, %mul3A_174 : vector<16xf32>
      %swap3A_176 = arith.index_cast %add3A_162 : i32 to index
      %swap3A_177 = arith.constant 0 : index
      %swap3A_178 = tpu.vector_load %arg20[%swap3A_176, %swap3A_177] {strides = array<i32>} : memref<40x128xf32, #tpu.memory_space<vmem>>, vector<1x16xf32>,
      %swap3A_179 = vector.shape_cast %swap3A_178 : vector<1x16xf32> to vector<16xf32>
      %swap3A_180 = vector.shape_cast %mul3A_175 : vector<16xf32> to vector<1x16xf32>
      tpu.vector_store %arg20[%swap3A_176, %swap3A_177], %swap3A_180 {strides = array<i32>} : memref<40x128xf32, #tpu.memory_space<vmem>>, vector<1x16xf32>,
      %get3A_181 = arith.index_cast %add3A_162 : i32 to index
      %get3A_182 = arith.constant 16 : index
      %get3A_183 = tpu.vector_load %arg18[%get3A_181, %get3A_182] {strides = array<i32>} : memref<40x128xf32, #tpu.memory_space<vmem>>, vector<1x16xf32>,
      %get3A_184 = vector.shape_cast %get3A_183 : vector<1x16xf32> to vector<16xf32>
      %get3A_185 = arith.index_cast %add3A_162 : i32 to index
      %get3A_186 = arith.constant 16 : index
      %get3A_187 = tpu.vector_load %arg19[%get3A_185, %get3A_186] {strides = array<i32>} : memref<40x128xf32, #tpu.memory_space<vmem>>, vector<1x16xf32>,
      %get3A_188 = vector.shape_cast %get3A_187 : vector<1x16xf32> to vector<16xf32>
      %mul3A_189 = arith.mulf %get3A_184, %get3A_188 : vector<16xf32>
      %mul3A_190 = vector.broadcast %squeeze3A : f32 to vector<16xf32>
      %mul3A_191 = arith.mulf %mul3A_189, %mul3A_190 : vector<16xf32>
      %swap3A_192 = arith.index_cast %add3A_162 : i32 to index
      %swap3A_193 = arith.constant 16 : index
      %swap3A_194 = tpu.vector_load %arg20[%swap3A_192, %swap3A_193] {strides = array<i32>} : memref<40x128xf32, #tpu.memory_space<vmem>>, vector<1x16xf32>,
      %swap3A_195 = vector.shape_cast %swap3A_194 : vector<1x16xf32> to vector<16xf32>
      %swap3A_196 = vector.shape_cast %mul3A_191 : vector<16xf32> to vector<1x16xf32>
      tpu.vector_store %arg20[%swap3A_192, %swap3A_193], %swap3A_196 {strides = array<i32>} : memref<40x128xf32, #tpu.memory_space<vmem>>, vector<1x16xf32>,
      %get3A_197 = arith.index_cast %add3A_162 : i32 to index
      %get3A_198 = arith.constant 32 : index
      %get3A_199 = tpu.vector_load %arg18[%get3A_197, %get3A_198] {strides = array<i32>} : memref<40x128xf32, #tpu.memory_space<vmem>>, vector<1x16xf32>,
      %get3A_200 = vector.shape_cast %get3A_199 : vector<1x16xf32> to vector<16xf32>
      %get3A_201 = arith.index_cast %add3A_162 : i32 to index
      %get3A_202 = arith.constant 32 : index
      %get3A_203 = tpu.vector_load %arg19[%get3A_201, %get3A_202] {strides = array<i32>} : memref<40x128xf32, #tpu.memory_space<vmem>>, vector<1x16xf32>,
      %get3A_204 = vector.shape_cast %get3A_203 : vector<1x16xf32> to vector<16xf32>
      %mul3A_205 = arith.mulf %get3A_200, %get3A_204 : vector<16xf32>
      %mul3A_206 = vector.broadcast %squeeze3A : f32 to vector<16xf32>
      %mul3A_207 = arith.mulf %mul3A_205, %mul3A_206 : vector<16xf32>
      %swap3A_208 = arith.index_cast %add3A_162 : i32 to index
      %swap3A_209 = arith.constant 32 : index
      %swap3A_210 = tpu.vector_load %arg20[%swap3A_208, %swap3A_209] {strides = array<i32>} : memref<40x128xf32, #tpu.memory_space<vmem>>, vector<1x16xf32>,
      %swap3A_211 = vector.shape_cast %swap3A_210 : vector<1x16xf32> to vector<16xf32>
      %swap3A_212 = vector.shape_cast %mul3A_207 : vector<16xf32> to vector<1x16xf32>
      tpu.vector_store %arg20[%swap3A_208, %swap3A_209], %swap3A_212 {strides = array<i32>} : memref<40x128xf32, #tpu.memory_space<vmem>>, vector<1x16xf32>,
      %get3A_213 = arith.index_cast %add3A_162 : i32 to index
      %get3A_214 = arith.constant 48 : index
      %get3A_215 = tpu.vector_load %arg18[%get3A_213, %get3A_214] {strides = array<i32>} : memref<40x128xf32, #tpu.memory_space<vmem>>, vector<1x16xf32>,
      %get3A_216 = vector.shape_cast %get3A_215 : vector<1x16xf32> to vector<16xf32>
      %get3A_217 = arith.index_cast %add3A_162 : i32 to index
      %get3A_218 = arith.constant 48 : index
      %get3A_219 = tpu.vector_load %arg19[%get3A_217, %get3A_218] {strides = array<i32>} : memref<40x128xf32, #tpu.memory_space<vmem>>, vector<1x16xf32>,
      %get3A_220 = vector.shape_cast %get3A_219 : vector<1x16xf32> to vector<16xf32>
      %mul3A_221 = arith.mulf %get3A_216, %get3A_220 : vector<16xf32>
      %mul3A_222 = vector.broadcast %squeeze3A : f32 to vector<16xf32>
      %mul3A_223 = arith.mulf %mul3A_221, %mul3A_222 : vector<16xf32>
      %swap3A_224 = arith.index_cast %add3A_162 : i32 to index
      %swap3A_225 = arith.constant 48 : index
      %swap3A_226 = tpu.vector_load %arg20[%swap3A_224, %swap3A_225] {strides = array<i32>} : memref<40x128xf32, #tpu.memory_space<vmem>>, vector<1x16xf32>,
      %swap3A_227 = vector.shape_cast %swap3A_226 : vector<1x16xf32> to vector<16xf32>
      %swap3A_228 = vector.shape_cast %mul3A_223 : vector<16xf32> to vector<1x16xf32>
      tpu.vector_store %arg20[%swap3A_224, %swap3A_225], %swap3A_228 {strides = array<i32>} : memref<40x128xf32, #tpu.memory_space<vmem>>, vector<1x16xf32>,
      %get3A_229 = arith.index_cast %add3A_162 : i32 to index
      %get3A_230 = arith.constant 64 : index
      %get3A_231 = tpu.vector_load %arg18[%get3A_229, %get3A_230] {strides = array<i32>} : memref<40x128xf32, #tpu.memory_space<vmem>>, vector<1x16xf32>,
      %get3A_232 = vector.shape_cast %get3A_231 : vector<1x16xf32> to vector<16xf32>
      %get3A_233 = arith.index_cast %add3A_162 : i32 to index
      %get3A_234 = arith.constant 64 : index
      %get3A_235 = tpu.vector_load %arg19[%get3A_233, %get3A_234] {strides = array<i32>} : memref<40x128xf32, #tpu.memory_space<vmem>>, vector<1x16xf32>,
      %get3A_236 = vector.shape_cast %get3A_235 : vector<1x16xf32> to vector<16xf32>
      %mul3A_237 = arith.mulf %get3A_232, %get3A_236 : vector<16xf32>
      %mul3A_238 = vector.broadcast %squeeze3A : f32 to vector<16xf32>
      %mul3A_239 = arith.mulf %mul3A_237, %mul3A_238 : vector<16xf32>
      %swap3A_240 = arith.index_cast %add3A_162 : i32 to index
      %swap3A_241 = arith.constant 64 : index
      %swap3A_242 = tpu.vector_load %arg20[%swap3A_240, %swap3A_241] {strides = array<i32>} : memref<40x128xf32, #tpu.memory_space<vmem>>, vector<1x16xf32>,
      %swap3A_243 = vector.shape_cast %swap3A_242 : vector<1x16xf32> to vector<16xf32>
      %swap3A_244 = vector.shape_cast %mul3A_239 : vector<16xf32> to vector<1x16xf32>
      tpu.vector_store %arg20[%swap3A_240, %swap3A_241], %swap3A_244 {strides = array<i32>} : memref<40x128xf32, #tpu.memory_space<vmem>>, vector<1x16xf32>,
      %get3A_245 = arith.index_cast %add3A_162 : i32 to index
      %get3A_246 = arith.constant 80 : index
      %get3A_247 = tpu.vector_load %arg18[%get3A_245, %get3A_246] {strides = array<i32>} : memref<40x128xf32, #tpu.memory_space<vmem>>, vector<1x16xf32>,
      %get3A_248 = vector.shape_cast %get3A_247 : vector<1x16xf32> to vector<16xf32>
      %get3A_249 = arith.index_cast %add3A_162 : i32 to index
      %get3A_250 = arith.constant 80 : index
      %get3A_251 = tpu.vector_load %arg19[%get3A_249, %get3A_250] {strides = array<i32>} : memref<40x128xf32, #tpu.memory_space<vmem>>, vector<1x16xf32>,
      %get3A_252 = vector.shape_cast %get3A_251 : vector<1x16xf32> to vector<16xf32>
      %mul3A_253 = arith.mulf %get3A_248, %get3A_252 : vector<16xf32>
      %mul3A_254 = vector.broadcast %squeeze3A : f32 to vector<16xf32>
      %mul3A_255 = arith.mulf %mul3A_253, %mul3A_254 : vector<16xf32>
      %swap3A_256 = arith.index_cast %add3A_162 : i32 to index
      %swap3A_257 = arith.constant 80 : index
      %swap3A_258 = tpu.vector_load %arg20[%swap3A_256, %swap3A_257] {strides = array<i32>} : memref<40x128xf32, #tpu.memory_space<vmem>>, vector<1x16xf32>,
      %swap3A_259 = vector.shape_cast %swap3A_258 : vector<1x16xf32> to vector<16xf32>
      %swap3A_260 = vector.shape_cast %mul3A_255 : vector<16xf32> to vector<1x16xf32>
      tpu.vector_store %arg20[%swap3A_256, %swap3A_257], %swap3A_260 {strides = array<i32>} : memref<40x128xf32, #tpu.memory_space<vmem>>, vector<1x16xf32>,
      %get3A_261 = arith.index_cast %add3A_162 : i32 to index
      %get3A_262 = arith.constant 96 : index
      %get3A_263 = tpu.vector_load %arg18[%get3A_261, %get3A_262] {strides = array<i32>} : memref<40x128xf32, #tpu.memory_space<vmem>>, vector<1x16xf32>,
      %get3A_264 = vector.shape_cast %get3A_263 : vector<1x16xf32> to vector<16xf32>
      %get3A_265 = arith.index_cast %add3A_162 : i32 to index
      %get3A_266 = arith.constant 96 : index
      %get3A_267 = tpu.vector_load %arg19[%get3A_265, %get3A_266] {strides = array<i32>} : memref<40x128xf32, #tpu.memory_space<vmem>>, vector<1x16xf32>,
      %get3A_268 = vector.shape_cast %get3A_267 : vector<1x16xf32> to vector<16xf32>
      %mul3A_269 = arith.mulf %get3A_264, %get3A_268 : vector<16xf32>
      %mul3A_270 = vector.broadcast %squeeze3A : f32 to vector<16xf32>
      %mul3A_271 = arith.mulf %mul3A_269, %mul3A_270 : vector<16xf32>
      %swap3A_272 = arith.index_cast %add3A_162 : i32 to index
      %swap3A_273 = arith.constant 96 : index
      %swap3A_274 = tpu.vector_load %arg20[%swap3A_272, %swap3A_273] {strides = array<i32>} : memref<40x128xf32, #tpu.memory_space<vmem>>, vector<1x16xf32>,
      %swap3A_275 = vector.shape_cast %swap3A_274 : vector<1x16xf32> to vector<16xf32>
      %swap3A_276 = vector.shape_cast %mul3A_271 : vector<16xf32> to vector<1x16xf32>
      tpu.vector_store %arg20[%swap3A_272, %swap3A_273], %swap3A_276 {strides = array<i32>} : memref<40x128xf32, #tpu.memory_space<vmem>>, vector<1x16xf32>,
      %get3A_277 = arith.index_cast %add3A_162 : i32 to index
      %get3A_278 = arith.constant 112 : index
      %get3A_279 = tpu.vector_load %arg18[%get3A_277, %get3A_278] {strides = array<i32>} : memref<40x128xf32, #tpu.memory_space<vmem>>, vector<1x16xf32>,
      %get3A_280 = vector.shape_cast %get3A_279 : vector<1x16xf32> to vector<16xf32>
      %get3A_281 = arith.index_cast %add3A_162 : i32 to index
      %get3A_282 = arith.constant 112 : index
      %get3A_283 = tpu.vector_load %arg19[%get3A_281, %get3A_282] {strides = array<i32>} : memref<40x128xf32, #tpu.memory_space<vmem>>, vector<1x16xf32>,
      %get3A_284 = vector.shape_cast %get3A_283 : vector<1x16xf32> to vector<16xf32>
      %mul3A_285 = arith.mulf %get3A_280, %get3A_284 : vector<16xf32>
      %mul3A_286 = vector.broadcast %squeeze3A : f32 to vector<16xf32>
      %mul3A_287 = arith.mulf %mul3A_285, %mul3A_286 : vector<16xf32>
      %swap3A_288 = arith.index_cast %add3A_162 : i32 to index
      %swap3A_289 = arith.constant 112 : index
      %swap3A_290 = tpu.vector_load %arg20[%swap3A_288, %swap3A_289] {strides = array<i32>} : memref<40x128xf32, #tpu.memory_space<vmem>>, vector<1x16xf32>,
      %swap3A_291 = vector.shape_cast %swap3A_290 : vector<1x16xf32> to vector<16xf32>
      %swap3A_292 = vector.shape_cast %mul3A_287 : vector<16xf32> to vector<1x16xf32>
      tpu.vector_store %arg20[%swap3A_288, %swap3A_289], %swap3A_292 {strides = array<i32>} : memref<40x128xf32, #tpu.memory_space<vmem>>, vector<1x16xf32>,
    }
    %scan3A_148 = arith.constant 40 : i32
    "tpu.region"() ({
      %run_scoped3A = tpu.sem_alloc : memref<!tpu.dma_semaphore, #tpu.memory_space<semaphore_mem>>
      %dma_start3A_158 = arith.constant 0 : i32
      %dma_start3A_159 = arith.constant 0 : i32
      %dma_start3A_160 = tpu.memref_slice %arg9[%dma_start3A_158, %dma_start3A_159] : memref<10240x128xf32, #tpu.memory_space<vmem_shared>> -> memref<10240x128xf32, #tpu.memory_space<vmem_shared>>
      tpu.enqueue_indirect_dma source(%arg20 : memref<40x128xf32, #tpu.memory_space<vmem>>) target(%dma_start3A_160 : memref<10240x128xf32, #tpu.memory_space<vmem_shared>>) offsets(%arg14 : memref<40xi32, #tpu.memory_space<vmem>>) semaphore(%run_scoped3A : memref<!tpu.dma_semaphore, #tpu.memory_space<semaphore_mem>>) {add = true}
      %dma_wait3A_161 = arith.constant 0 : i32
      %dma_wait3A_162 = arith.constant 0 : i32
      %dma_wait3A_163 = tpu.memref_slice %arg9[%dma_wait3A_161, %dma_wait3A_162] : memref<10240x128xf32, #tpu.memory_space<vmem_shared>> -> memref<10240x128xf32, #tpu.memory_space<vmem_shared>>
      tpu.wait_indirect_dma semaphore(%run_scoped3A : memref<!tpu.dma_semaphore, #tpu.memory_space<semaphore_mem>>) src(%arg20 : memref<40x128xf32, #tpu.memory_space<vmem>>) dst(%dma_wait3A_163 : memref<10240x128xf32, #tpu.memory_space<vmem_shared>>)
      tpu.yield
    }) : () -> ()
    "tpu.region"() ({
      %run_scoped3A = tpu.sem_alloc : memref<!tpu.dma_semaphore, #tpu.memory_space<semaphore_mem>>
      %dma_start3A_158 = arith.constant 0 : i32
      %dma_start3A_159 = tpu.memref_slice %arg10[%dma_start3A_158] : memref<10240xf32, #tpu.memory_space<vmem_shared>> -> memref<10240xf32, #tpu.memory_space<vmem_shared>>
      tpu.enqueue_indirect_dma source(%arg21 : memref<40xf32, #tpu.memory_space<vmem>>) target(%dma_start3A_159 : memref<10240xf32, #tpu.memory_space<vmem_shared>>) offsets(%arg14 : memref<40xi32, #tpu.memory_space<vmem>>) semaphore(%run_scoped3A : memref<!tpu.dma_semaphore, #tpu.memory_space<semaphore_mem>>) {add = true}
      %dma_wait3A_160 = arith.constant 0 : i32
      %dma_wait3A_161 = tpu.memref_slice %arg10[%dma_wait3A_160] : memref<10240xf32, #tpu.memory_space<vmem_shared>> -> memref<10240xf32, #tpu.memory_space<vmem_shared>>
      tpu.wait_indirect_dma semaphore(%run_scoped3A : memref<!tpu.dma_semaphore, #tpu.memory_space<semaphore_mem>>) src(%arg21 : memref<40xf32, #tpu.memory_space<vmem>>) dst(%dma_wait3A_161 : memref<10240xf32, #tpu.memory_space<vmem_shared>>)
      tpu.yield
    }) : () -> ()
    %barrier3A_149 = arith.constant 0 : index
    tpu.barrier barrier_id(%barrier3A_149)
    %mul3A_150 = arith.constant 640 : i32
    %mul3A_151 = arith.muli %arg1, %mul3A_150 : i32
    %mul3A_152 = arith.constant 640 : i32
    %mul3A_153 = arith.muli %arg1, %mul3A_152 : i32
    "tpu.region"() ({
      %run_scoped3A = tpu.sem_alloc : memref<!tpu.dma_semaphore, #tpu.memory_space<semaphore_mem>>
      %dma_start3A_158 = arith.constant 0 : i32
      %dma_start3A_159 = tpu.memref_slice %arg7[%arg0, %mul3A_153, %dma_start3A_158] : memref<2x10240x128xf32, #tpu.memory_space<hbm>> -> memref<1x640x128xf32, #tpu.memory_space<hbm>>
      %dma_start3A_160 = tpu.memref_squeeze %dma_start3A_159 : memref<1x640x128xf32, #tpu.memory_space<hbm>> -> memref<640x128xf32, #tpu.memory_space<hbm>>
      %dma_start3A_161 = arith.constant 0 : i32
      %dma_start3A_162 = tpu.memref_slice %arg9[%mul3A_151, %dma_start3A_161] : memref<10240x128xf32, #tpu.memory_space<vmem_shared>> -> memref<640x128xf32, #tpu.memory_space<vmem_shared>>
      tpu.enqueue_dma source(%dma_start3A_162 : memref<640x128xf32, #tpu.memory_space<vmem_shared>>) target(%dma_start3A_160 : memref<640x128xf32, #tpu.memory_space<hbm>>) target_semaphore(%run_scoped3A : memref<!tpu.dma_semaphore, #tpu.memory_space<semaphore_mem>>)
      %dma_wait3A_163 = arith.constant 0 : i32
      %dma_wait3A_164 = tpu.memref_slice %arg7[%arg0, %mul3A_153, %dma_wait3A_163] : memref<2x10240x128xf32, #tpu.memory_space<hbm>> -> memref<1x640x128xf32, #tpu.memory_space<hbm>>
      %dma_wait3A_165 = tpu.memref_squeeze %dma_wait3A_164 : memref<1x640x128xf32, #tpu.memory_space<hbm>> -> memref<640x128xf32, #tpu.memory_space<hbm>>
      %dma_wait3A_166 = arith.constant 0 : i32
      %dma_wait3A_167 = tpu.memref_slice %arg9[%mul3A_151, %dma_wait3A_166] : memref<10240x128xf32, #tpu.memory_space<vmem_shared>> -> memref<640x128xf32, #tpu.memory_space<vmem_shared>>
      tpu.wait_dma2 semaphore(%run_scoped3A : memref<!tpu.dma_semaphore, #tpu.memory_space<semaphore_mem>>) src(%dma_wait3A_167 : memref<640x128xf32, #tpu.memory_space<vmem_shared>>) dst(%dma_wait3A_165 : memref<640x128xf32, #tpu.memory_space<hbm>>)
      tpu.yield
    }) : () -> ()
    %mul3A_154 = arith.constant 640 : i32
    %mul3A_155 = arith.muli %arg1, %mul3A_154 : i32
    %mul3A_156 = arith.constant 640 : i32
    %mul3A_157 = arith.muli %arg1, %mul3A_156 : i32
    "tpu.region"() ({
      %run_scoped3A = tpu.sem_alloc : memref<!tpu.dma_semaphore, #tpu.memory_space<semaphore_mem>>
      %dma_start3A_158 = tpu.memref_slice %arg8[%arg0, %mul3A_157] : memref<2x10240xf32, #tpu.memory_space<hbm>> -> memref<1x640xf32, #tpu.memory_space<hbm>>
      %dma_start3A_159 = tpu.memref_squeeze %dma_start3A_158 : memref<1x640xf32, #tpu.memory_space<hbm>> -> memref<640xf32, #tpu.memory_space<hbm>>
      %dma_start3A_160 = tpu.memref_slice %arg10[%mul3A_155] : memref<10240xf32, #tpu.memory_space<vmem_shared>> -> memref<640xf32, #tpu.memory_space<vmem_shared>>
      tpu.enqueue_dma source(%dma_start3A_160 : memref<640xf32, #tpu.memory_space<vmem_shared>>) target(%dma_start3A_159 : memref<640xf32, #tpu.memory_space<hbm>>) target_semaphore(%run_scoped3A : memref<!tpu.dma_semaphore, #tpu.memory_space<semaphore_mem>>)
      %dma_wait3A_161 = tpu.memref_slice %arg8[%arg0, %mul3A_157] : memref<2x10240xf32, #tpu.memory_space<hbm>> -> memref<1x640xf32, #tpu.memory_space<hbm>>
      %dma_wait3A_162 = tpu.memref_squeeze %dma_wait3A_161 : memref<1x640xf32, #tpu.memory_space<hbm>> -> memref<640xf32, #tpu.memory_space<hbm>>
      %dma_wait3A_163 = tpu.memref_slice %arg10[%mul3A_155] : memref<10240xf32, #tpu.memory_space<vmem_shared>> -> memref<640xf32, #tpu.memory_space<vmem_shared>>
      tpu.wait_dma2 semaphore(%run_scoped3A : memref<!tpu.dma_semaphore, #tpu.memory_space<semaphore_mem>>) src(%dma_wait3A_163 : memref<640xf32, #tpu.memory_space<vmem_shared>>) dst(%dma_wait3A_162 : memref<640xf32, #tpu.memory_space<hbm>>)
      tpu.yield
    }) : () -> ()
    return
  }
}

module attributes {stable_mosaic.version = 14 : i64} {
  func.func @_cutoff_body(%arg0: memref<320000xf32, #tpu.memory_space<vmem>>, %arg1: memref<320000xf32, #tpu.memory_space<vmem>>) attributes {dimension_semantics = [], scalar_prefetch = 0 : i64, scratch_operands = 0 : i64, tpu.core_type = #tpu.core_type<tc>} {
    %get3A = arith.constant 0 : index
    %get3A_0 = vector.load %arg0[%get3A] : memref<320000xf32, #tpu.memory_space<vmem>>, vector<320000xf32>
    %mul3A = arith.constant 0.628318548 : f32
    %mul3A_1 = vector.broadcast %mul3A : f32 to vector<320000xf32>
    %mul3A_2 = arith.mulf %get3A_0, %mul3A_1 : vector<320000xf32>
    %cos3A = math.cos %mul3A_2 : vector<320000xf32>
    %add3A = arith.constant 1.000000e+00 : f32
    %add3A_3 = vector.broadcast %add3A : f32 to vector<320000xf32>
    %add3A_4 = arith.addf %cos3A, %add3A_3 : vector<320000xf32>
    %mul3A_5 = arith.constant 5.000000e-01 : f32
    %mul3A_6 = vector.broadcast %mul3A_5 : f32 to vector<320000xf32>
    %mul3A_7 = arith.mulf %mul3A_6, %add3A_4 : vector<320000xf32>
    %lt3A = arith.constant 5.000000e+00 : f32
    %lt3A_8 = vector.broadcast %lt3A : f32 to vector<320000xf32>
    %lt3A_9 = arith.cmpf olt, %get3A_0, %lt3A_8 : vector<320000xf32>
    %convert_element_type3A = arith.extui %lt3A_9 : vector<320000xi1> to vector<320000xi32>
    %convert_element_type3A_10 = arith.sitofp %convert_element_type3A : vector<320000xi32> to vector<320000xf32>
    %mul3A_11 = arith.mulf %mul3A_7, %convert_element_type3A_10 : vector<320000xf32>
    %swap3A = arith.constant 0 : index
    %swap3A_12 = vector.load %arg1[%swap3A] : memref<320000xf32, #tpu.memory_space<vmem>>, vector<320000xf32>
    tpu.vector_store %arg1[%swap3A], %mul3A_11 {strides = array<i32>} : memref<320000xf32, #tpu.memory_space<vmem>>, vector<320000xf32>,
    return
  }
}

module attributes {stable_mosaic.version = 14 : i64} {
  func.func @_xh_body(%arg0: i32, %arg1: memref<2000x128xf32, #tpu.memory_space<vmem>>, %arg2: memref<128x128xf32, #tpu.memory_space<vmem>>, %arg3: memref<2000x128xf32, #tpu.memory_space<vmem>>) attributes {dimension_semantics = [#tpu.dimension_semantics<arbitrary>], iteration_bounds = array<i64: 5>, scalar_prefetch = 0 : i64, scratch_operands = 0 : i64, tpu.core_type = #tpu.core_type<tc>, window_params = [{transform_indices = @transform_0, window_bounds = array<i64: 2000, 128>}, {pipeline_mode = #tpu.pipeline_mode<synchronous>, transform_indices = @transform_1, window_bounds = array<i64: 128, 128>}, {transform_indices = @transform_2, window_bounds = array<i64: 2000, 128>}]} {
    %get3A = arith.constant 0 : index
    %get3A_0 = arith.constant 0 : index
    %get3A_1 = vector.load %arg1[%get3A, %get3A_0] : memref<2000x128xf32, #tpu.memory_space<vmem>>, vector<2000x128xf32>
    %get3A_2 = arith.constant 0 : index
    %get3A_3 = arith.constant 0 : index
    %get3A_4 = vector.load %arg2[%get3A_2, %get3A_3] : memref<128x128xf32, #tpu.memory_space<vmem>>, vector<128x128xf32>
    %dot_general3A = arith.constant dense<0.000000e+00> : vector<2000x128xf32>
    %dot_general3A_5 = tpu.matmul %get3A_1, %get3A_4, %dot_general3A {dimension_numbers = #tpu.dot_dimension_numbers<[1], [0], [0], [1], [0, 0, 1, 1], [], []>, transpose_lhs_hint = false} : vector<2000x128xf32>, vector<128x128xf32>, vector<2000x128xf32> -> vector<2000x128xf32>
    %swap3A = arith.constant 0 : index
    %swap3A_6 = arith.constant 0 : index
    %swap3A_7 = vector.load %arg3[%swap3A, %swap3A_6] : memref<2000x128xf32, #tpu.memory_space<vmem>>, vector<2000x128xf32>
    tpu.vector_store %arg3[%swap3A, %swap3A_6], %dot_general3A_5 {strides = array<i32>} : memref<2000x128xf32, #tpu.memory_space<vmem>>, vector<2000x128xf32>,
    return
  }
  func.func @transform_0(%arg0: i32) -> (i32, i32) {
    %c0_i32 = arith.constant 0 : i32
    %c0_i32_0 = arith.constant 0 : i32
    return %arg0, %c0_i32 : i32, i32
  }
  func.func @transform_1(%arg0: i32) -> (i32, i32) {
    %c0_i32 = arith.constant 0 : i32
    %c0_i32_0 = arith.constant 0 : i32
    %c0_i32_1 = arith.constant 0 : i32
    return %c0_i32, %c0_i32_0 : i32, i32
  }
  func.func @transform_2(%arg0: i32) -> (i32, i32) {
    %c0_i32 = arith.constant 0 : i32
    %c0_i32_0 = arith.constant 0 : i32
    return %arg0, %c0_i32 : i32, i32
  }
}

module attributes {stable_mosaic.version = 14 : i64} {
  func.func @_filter_body(%arg0: i32, %arg1: memref<16x3200xf32, #tpu.memory_space<vmem>>, %arg2: memref<16x128xf32, #tpu.memory_space<vmem>>, %arg3: memref<1x128xf32, #tpu.memory_space<vmem>>, %arg4: memref<128x128xf32, #tpu.memory_space<vmem>>, %arg5: memref<1x128xf32, #tpu.memory_space<vmem>>, %arg6: memref<3200x128xf32, #tpu.memory_space<vmem>>) attributes {dimension_semantics = [#tpu.dimension_semantics<arbitrary>], iteration_bounds = array<i64: 100>, scalar_prefetch = 0 : i64, scratch_operands = 0 : i64, tpu.core_type = #tpu.core_type<tc>, window_params = [{transform_indices = @transform_0, window_bounds = array<i64: 16, 3200>}, {pipeline_mode = #tpu.pipeline_mode<synchronous>, transform_indices = @transform_1, window_bounds = array<i64: 16, 128>}, {pipeline_mode = #tpu.pipeline_mode<synchronous>, transform_indices = @transform_2, window_bounds = array<i64: 1, 128>}, {pipeline_mode = #tpu.pipeline_mode<synchronous>, transform_indices = @transform_3, window_bounds = array<i64: 128, 128>}, {pipeline_mode = #tpu.pipeline_mode<synchronous>, transform_indices = @transform_4, window_bounds = array<i64: 1, 128>}, {transform_indices = @transform_5, window_bounds = array<i64: 3200, 128>}]} {
    %get3A = arith.constant 0 : index
    %get3A_0 = arith.constant 0 : index
    %get3A_1 = vector.load %arg1[%get3A, %get3A_0] : memref<16x3200xf32, #tpu.memory_space<vmem>>, vector<16x3200xf32>
    %get3A_2 = arith.constant 0 : index
    %get3A_3 = arith.constant 0 : index
    %get3A_4 = vector.load %arg2[%get3A_2, %get3A_3] : memref<16x128xf32, #tpu.memory_space<vmem>>, vector<16x128xf32>
    %dot_general3A = arith.constant dense<0.000000e+00> : vector<3200x128xf32>
    %dot_general3A_5 = tpu.matmul %get3A_1, %get3A_4, %dot_general3A {dimension_numbers = #tpu.dot_dimension_numbers<[0], [0], [1], [1], [0, 1, 1, 1], [], []>, transpose_lhs_hint = false} : vector<16x3200xf32>, vector<16x128xf32>, vector<3200x128xf32> -> vector<3200x128xf32>
    %get3A_6 = arith.constant 0 : index
    %get3A_7 = arith.constant 0 : index
    %get3A_8 = vector.load %arg3[%get3A_6, %get3A_7] : memref<1x128xf32, #tpu.memory_space<vmem>>, vector<1x128xf32>
    %add3A = vector.broadcast %get3A_8 : vector<1x128xf32> to vector<3200x128xf32>
    %add3A_9 = arith.addf %dot_general3A_5, %add3A : vector<3200x128xf32>
    %neg3A = arith.constant 0.000000e+00 : f32
    %neg3A_10 = vector.broadcast %neg3A : f32 to vector<3200x128xf32>
    %neg3A_11 = arith.subf %neg3A_10, %add3A_9 : vector<3200x128xf32>
    %exp3A = math.exp %neg3A_11 : vector<3200x128xf32>
    %add3A_12 = arith.constant 1.000000e+00 : f32
    %add3A_13 = vector.broadcast %add3A_12 : f32 to vector<3200x128xf32>
    %add3A_14 = arith.addf %add3A_13, %exp3A : vector<3200x128xf32>
    %div3A = arith.constant 1.000000e+00 : f32
    %div3A_15 = vector.broadcast %div3A : f32 to vector<3200x128xf32>
    %div3A_16 = arith.divf %div3A_15, %add3A_14 : vector<3200x128xf32>
    %mul3A = arith.mulf %add3A_9, %div3A_16 : vector<3200x128xf32>
    %get3A_17 = arith.constant 0 : index
    %get3A_18 = arith.constant 0 : index
    %get3A_19 = vector.load %arg4[%get3A_17, %get3A_18] : memref<128x128xf32, #tpu.memory_space<vmem>>, vector<128x128xf32>
    %dot_general3A_20 = arith.constant dense<0.000000e+00> : vector<3200x128xf32>
    %dot_general3A_21 = tpu.matmul %mul3A, %get3A_19, %dot_general3A_20 {dimension_numbers = #tpu.dot_dimension_numbers<[1], [0], [0], [1], [0, 0, 1, 1], [], []>, transpose_lhs_hint = false} : vector<3200x128xf32>, vector<128x128xf32>, vector<3200x128xf32> -> vector<3200x128xf32>
    %get3A_22 = arith.constant 0 : index
    %get3A_23 = arith.constant 0 : index
    %get3A_24 = vector.load %arg5[%get3A_22, %get3A_23] : memref<1x128xf32, #tpu.memory_space<vmem>>, vector<1x128xf32>
    %add3A_25 = vector.broadcast %get3A_24 : vector<1x128xf32> to vector<3200x128xf32>
    %add3A_26 = arith.addf %dot_general3A_21, %add3A_25 : vector<3200x128xf32>
    %swap3A = arith.constant 0 : index
    %swap3A_27 = arith.constant 0 : index
    %swap3A_28 = vector.load %arg6[%swap3A, %swap3A_27] : memref<3200x128xf32, #tpu.memory_space<vmem>>, vector<3200x128xf32>
    tpu.vector_store %arg6[%swap3A, %swap3A_27], %add3A_26 {strides = array<i32>} : memref<3200x128xf32, #tpu.memory_space<vmem>>, vector<3200x128xf32>,
    return
  }
  func.func @transform_0(%arg0: i32) -> (i32, i32) {
    %c0_i32 = arith.constant 0 : i32
    %c0_i32_0 = arith.constant 0 : i32
    return %c0_i32, %arg0 : i32, i32
  }
  func.func @transform_1(%arg0: i32) -> (i32, i32) {
    %c0_i32 = arith.constant 0 : i32
    %c0_i32_0 = arith.constant 0 : i32
    %c0_i32_1 = arith.constant 0 : i32
    return %c0_i32, %c0_i32_0 : i32, i32
  }
  func.func @transform_2(%arg0: i32) -> (i32, i32) {
    %c0_i32 = arith.constant 0 : i32
    %c0_i32_0 = arith.constant 0 : i32
    %c0_i32_1 = arith.constant 0 : i32
    return %c0_i32, %c0_i32_0 : i32, i32
  }
  func.func @transform_3(%arg0: i32) -> (i32, i32) {
    %c0_i32 = arith.constant 0 : i32
    %c0_i32_0 = arith.constant 0 : i32
    %c0_i32_1 = arith.constant 0 : i32
    return %c0_i32, %c0_i32_0 : i32, i32
  }
  func.func @transform_4(%arg0: i32) -> (i32, i32) {
    %c0_i32 = arith.constant 0 : i32
    %c0_i32_0 = arith.constant 0 : i32
    %c0_i32_1 = arith.constant 0 : i32
    return %c0_i32, %c0_i32_0 : i32, i32
  }
  func.func @transform_5(%arg0: i32) -> (i32, i32) {
    %c0_i32 = arith.constant 0 : i32
    %c0_i32_0 = arith.constant 0 : i32
    return %arg0, %c0_i32 : i32, i32
  }
}

module attributes {stable_mosaic.version = 14 : i64} {
  func.func @_tail_body(%arg0: i32, %arg1: memref<2x2000x128xf32, #tpu.memory_space<vmem>>, %arg2: memref<2000x1xf32, #tpu.memory_space<vmem>>, %arg3: memref<128x128xf32, #tpu.memory_space<vmem>>, %arg4: memref<1x128xf32, #tpu.memory_space<vmem>>, %arg5: memref<128x128xf32, #tpu.memory_space<vmem>>, %arg6: memref<1x128xf32, #tpu.memory_space<vmem>>, %arg7: memref<2000x128xf32, #tpu.memory_space<vmem>>) attributes {dimension_semantics = [#tpu.dimension_semantics<arbitrary>], iteration_bounds = array<i64: 5>, scalar_prefetch = 0 : i64, scratch_operands = 0 : i64, tpu.core_type = #tpu.core_type<tc>, window_params = [{transform_indices = @transform_0, window_bounds = array<i64: 2, 2000, 128>}, {transform_indices = @transform_1, window_bounds = array<i64: 2000, 1>}, {pipeline_mode = #tpu.pipeline_mode<synchronous>, transform_indices = @transform_2, window_bounds = array<i64: 128, 128>}, {pipeline_mode = #tpu.pipeline_mode<synchronous>, transform_indices = @transform_3, window_bounds = array<i64: 1, 128>}, {pipeline_mode = #tpu.pipeline_mode<synchronous>, transform_indices = @transform_4, window_bounds = array<i64: 128, 128>}, {pipeline_mode = #tpu.pipeline_mode<synchronous>, transform_indices = @transform_5, window_bounds = array<i64: 1, 128>}, {transform_indices = @transform_6, window_bounds = array<i64: 2000, 128>}]} {
    %get3A = arith.constant 0 : index
    %get3A_0 = arith.constant 0 : index
    %get3A_1 = arith.constant 0 : index
    %get3A_2 = vector.load %arg1[%get3A, %get3A_0, %get3A_1] : memref<2x2000x128xf32, #tpu.memory_space<vmem>>, vector<1x2000x128xf32>
    %get3A_3 = vector.shape_cast %get3A_2 : vector<1x2000x128xf32> to vector<2000x128xf32>
    %get3A_4 = arith.constant 1 : index
    %get3A_5 = arith.constant 0 : index
    %get3A_6 = arith.constant 0 : index
    %get3A_7 = vector.load %arg1[%get3A_4, %get3A_5, %get3A_6] : memref<2x2000x128xf32, #tpu.memory_space<vmem>>, vector<1x2000x128xf32>
    %get3A_8 = vector.shape_cast %get3A_7 : vector<1x2000x128xf32> to vector<2000x128xf32>
    %add3A = arith.addf %get3A_3, %get3A_8 : vector<2000x128xf32>
    %get3A_9 = arith.constant 0 : index
    %get3A_10 = arith.constant 0 : index
    %get3A_11 = vector.load %arg2[%get3A_9, %get3A_10] : memref<2000x1xf32, #tpu.memory_space<vmem>>, vector<2000x1xf32>
    %gt3A = arith.constant 0.000000e+00 : f32
    %gt3A_12 = vector.broadcast %gt3A : f32 to vector<2000x1xf32>
    %gt3A_13 = arith.cmpf ogt, %get3A_11, %gt3A_12 : vector<2000x1xf32>
    %jit3A = arith.constant 1.000000e+00 : f32
    %broadcast_in_dim3A = vector.broadcast %jit3A : f32 to vector<2000x1xf32>
    %select_n3A = arith.select %gt3A_13, %get3A_11, %broadcast_in_dim3A : vector<2000x1xi1>, vector<2000x1xf32>
    %div3A = vector.broadcast %select_n3A : vector<2000x1xf32> to vector<2000x128xf32>
    %div3A_14 = arith.divf %add3A, %div3A : vector<2000x128xf32>
    %get3A_15 = arith.constant 0 : index
    %get3A_16 = arith.constant 0 : index
    %get3A_17 = vector.load %arg3[%get3A_15, %get3A_16] : memref<128x128xf32, #tpu.memory_space<vmem>>, vector<128x128xf32>
    %dot_general3A = arith.constant dense<0.000000e+00> : vector<2000x128xf32>
    %dot_general3A_18 = tpu.matmul %div3A_14, %get3A_17, %dot_general3A {dimension_numbers = #tpu.dot_dimension_numbers<[1], [0], [0], [1], [0, 0, 1, 1], [], []>, transpose_lhs_hint = false} : vector<2000x128xf32>, vector<128x128xf32>, vector<2000x128xf32> -> vector<2000x128xf32>
    %get3A_19 = arith.constant 0 : index
    %get3A_20 = arith.constant 0 : index
    %get3A_21 = vector.load %arg4[%get3A_19, %get3A_20] : memref<1x128xf32, #tpu.memory_space<vmem>>, vector<1x128xf32>
    %add3A_22 = vector.broadcast %get3A_21 : vector<1x128xf32> to vector<2000x128xf32>
    %add3A_23 = arith.addf %dot_general3A_18, %add3A_22 : vector<2000x128xf32>
    %neg3A = arith.constant 0.000000e+00 : f32
    %neg3A_24 = vector.broadcast %neg3A : f32 to vector<2000x128xf32>
    %neg3A_25 = arith.subf %neg3A_24, %add3A_23 : vector<2000x128xf32>
    %exp3A = math.exp %neg3A_25 : vector<2000x128xf32>
    %add3A_26 = arith.constant 1.000000e+00 : f32
    %add3A_27 = vector.broadcast %add3A_26 : f32 to vector<2000x128xf32>
    %add3A_28 = arith.addf %add3A_27, %exp3A : vector<2000x128xf32>
    %div3A_29 = arith.constant 1.000000e+00 : f32
    %div3A_30 = vector.broadcast %div3A_29 : f32 to vector<2000x128xf32>
    %div3A_31 = arith.divf %div3A_30, %add3A_28 : vector<2000x128xf32>
    %mul3A = arith.mulf %add3A_23, %div3A_31 : vector<2000x128xf32>
    %get3A_32 = arith.constant 0 : index
    %get3A_33 = arith.constant 0 : index
    %get3A_34 = vector.load %arg5[%get3A_32, %get3A_33] : memref<128x128xf32, #tpu.memory_space<vmem>>, vector<128x128xf32>
    %dot_general3A_35 = arith.constant dense<0.000000e+00> : vector<2000x128xf32>
    %dot_general3A_36 = tpu.matmul %mul3A, %get3A_34, %dot_general3A_35 {dimension_numbers = #tpu.dot_dimension_numbers<[1], [0], [0], [1], [0, 0, 1, 1], [], []>, transpose_lhs_hint = false} : vector<2000x128xf32>, vector<128x128xf32>, vector<2000x128xf32> -> vector<2000x128xf32>
    %get3A_37 = arith.constant 0 : index
    %get3A_38 = arith.constant 0 : index
    %get3A_39 = vector.load %arg6[%get3A_37, %get3A_38] : memref<1x128xf32, #tpu.memory_space<vmem>>, vector<1x128xf32>
    %add3A_40 = vector.broadcast %get3A_39 : vector<1x128xf32> to vector<2000x128xf32>
    %add3A_41 = arith.addf %dot_general3A_36, %add3A_40 : vector<2000x128xf32>
    %swap3A = arith.constant 0 : index
    %swap3A_42 = arith.constant 0 : index
    %swap3A_43 = vector.load %arg7[%swap3A, %swap3A_42] : memref<2000x128xf32, #tpu.memory_space<vmem>>, vector<2000x128xf32>
    tpu.vector_store %arg7[%swap3A, %swap3A_42], %add3A_41 {strides = array<i32>} : memref<2000x128xf32, #tpu.memory_space<vmem>>, vector<2000x128xf32>,
    return
  }
  func.func @transform_0(%arg0: i32) -> (i32, i32, i32) {
    %c0_i32 = arith.constant 0 : i32
    %c0_i32_0 = arith.constant 0 : i32
    %c0_i32_1 = arith.constant 0 : i32
    return %c0_i32, %arg0, %c0_i32_0 : i32, i32, i32
  }
  func.func @transform_1(%arg0: i32) -> (i32, i32) {
    %c0_i32 = arith.constant 0 : i32
    %c0_i32_0 = arith.constant 0 : i32
    return %arg0, %c0_i32 : i32, i32
  }
  func.func @transform_2(%arg0: i32) -> (i32, i32) {
    %c0_i32 = arith.constant 0 : i32
    %c0_i32_0 = arith.constant 0 : i32
    %c0_i32_1 = arith.constant 0 : i32
    return %c0_i32, %c0_i32_0 : i32, i32
  }
  func.func @transform_3(%arg0: i32) -> (i32, i32) {
    %c0_i32 = arith.constant 0 : i32
    %c0_i32_0 = arith.constant 0 : i32
    %c0_i32_1 = arith.constant 0 : i32
    return %c0_i32, %c0_i32_0 : i32, i32
  }
  func.func @transform_4(%arg0: i32) -> (i32, i32) {
    %c0_i32 = arith.constant 0 : i32
    %c0_i32_0 = arith.constant 0 : i32
    %c0_i32_1 = arith.constant 0 : i32
    return %c0_i32, %c0_i32_0 : i32, i32
  }
  func.func @transform_5(%arg0: i32) -> (i32, i32) {
    %c0_i32 = arith.constant 0 : i32
    %c0_i32_0 = arith.constant 0 : i32
    %c0_i32_1 = arith.constant 0 : i32
    return %c0_i32, %c0_i32_0 : i32, i32
  }
  func.func @transform_6(%arg0: i32) -> (i32, i32) {
    %c0_i32 = arith.constant 0 : i32
    %c0_i32_0 = arith.constant 0 : i32
    return %arg0, %c0_i32 : i32, i32
  }
}

</mosaic_0001>

<sc_bundles>
// kernel: kernel.7.cloned.1.call-start
scs
__scs_entry_jumppad:
0x0: {  	(pc) =	sbr.rel $0x88, $3  }
0x1: {  	(tag) =	ssettag $0x0;
	lr =	simm.s32 $0x1  }
0x2: {  	[smem:$0x3F94] =	sst lr;
	_ =	strace $0xD0000000  }
0x3: {  	_ = 	snop  }
0x4: {  	_ = 	snop  }
0x5: {  	_ = 	snop  }
0x6: {  	_ = 	snop  }
0x7: {  	_ = 	snop  }
__scs_overlays_trampoline_lowered:
0x8: {  	[smem:$0x3FA3] =	sst s0  }
0x9: {  	[smem:$0x3FA4] =	sst s1  }
0xa: {  	[smem:$0x3FA5] =	sst s2  }
0xb: {  	[smem:$0x3FA6] =	sst s3  }
0xc: {  	[smem:$0x3FA7] =	sst s4  }
0xd: {  	[smem:$0x3FA8] =	sst s5  }
0xe: {  	[smem:$0x3FA9] =	sst s6  }
0xf: {  	[smem:$0x3FAA] =	sst s7  }
0x10: {  	[smem:$0x3FAB] =	sst s8  }
0x11: {  	[smem:$0x3FAC] =	sst s9;
	s0 =	simm.s32 @!p0 $0x0  }
0x12: {  	s1 =	sld [smem:$0x3F92];
	s0 =	simm.s32 @p0 $0x1  }
0x13: {  	[smem:$0x3FAD] =	sst s0;
	s0 =	simm.s32 @!p1 $0x0  }
0x14: {  	s2 =	sld [smem:$0x3F91];
	s0 =	simm.s32 @p1 $0x1  }
0x15: {  	[smem:$0x3FAE] =	sst s0;
	s0 =	simm.s32 @!p2 $0x0  }
0x16: {  	s3 =	sld [smem:$0x3FDB];
	s0 =	simm.s32 @p2 $0x1  }
0x17: {  	s4 =	simm.s32 $0x1BF5;
	[smem:$0x3FB0] =	sst s0  }
0x18: {  	s0 =	sld [smem:$0x3F93];
	_ =	swait.ge [sflag:s4], $0x0  }
0x19: {  	s7 =	sld [smem:$0x3F94]  }
0x1a: {  	s8 =	sadd.s32 $0xFFFFE003, lr  }
0x1b: {  	s9 =	sadd.s32 $0xFFFFFEF7, lr;
	s5 =	simm.s32 $0xFFFFFFFF;
	p2 =	slt.u32 s8, $0xFFFFF086  }
0x1c: {  	p1 =	slt.u32 s9, $0xF7A;
	s5 =	simm.s32 @!p2 $0x0  }
0x1d: {  	s5 =	simm.s32 @p1 $0x1;
	p0 =	seq.s32 s7, s2  }
0x1e: {  	s7 =	smul.u32 @!p0 $0xF7A, s2;
	p2 =	seq.s32 @!p0 s5, $0x0  }
0x1f: {  	s9 =	smul.u32 $0xF7A, s1;
	s8 =	simm.s32 @!p0 $0x1BF5;
	p2 =	por !p2, p0  }
0x20: {  	[sflag:s8] =	ssyncset.s32 @!p0 $0xFFFFF086;
	s6 =	sadd.s32 @!p0 s3, s7;
	s7 =	simm.s32 @!p0 $0x108  }
0x21: {  	s3 =	sadd.s32 s3, s9;
	s6 =	sadd.s32 @!p0 $0x88, s6;
	s7 =	simm.s32 @p2 $0x1082  }
0x22: {  	[simem:s7], [sflag:s8] =	dma.local @!p0 [hbm:s6], $0xF7A  }
0x23: {  	s9 =	sor.u32 $0xD0000000, s2;
	s6 =	simm.s32 $0x108;
	_ =	swait.ge @!p0 [sflag:s8], $0x0  }
0x24: {  	s3 =	sadd.s32 $0x88, s3;
	s6 =	simm.s32 @!p1 $0x1082;
	[sflag:s4] =	ssyncset.s32 $0xFFFFF086  }
0x25: {  	[simem:s6], [sflag:s4] =	dma.local [hbm:s3], $0xF7A  }
0x26: {  	[smem:$0x3F94] =	sst s1;
	(tag) =	ssettag s2;
	_ =	strace s9  }
0x27: {  	s1 =	sld [smem:$0x3FA4]  }
0x28: {  	s2 =	sld [smem:$0x3FA5]  }
0x29: {  	s4 =	sld [smem:$0x3FA7]  }
0x2a: {  	p0 =	seq.s32 s5, $0x0;
	s5 =	sld [smem:$0x3FA8]  }
0x2b: {  	s6 =	sld [smem:$0x3FA9]  }
0x2c: {  	s7 =	sld [smem:$0x3FAA]  }
0x2d: {  	s3 =	simm.s32 $0x108;
	s8 =	sld [smem:$0x3FAB]  }
0x2e: {  	s3 =	simm.s32 @!p0 $0x1082;
	s9 =	sld [smem:$0x3FAC]  }
0x2f: {  	lr =	sadd.s32 s0, s3;
	s0 =	sld [smem:$0x3FA3]  }
0x30: {  	s3 =	sld [smem:$0x3FA6]  }
0x31: {  	[smem:$0x3FAF] =	sst s10  }
0x32: {  	s10 =	sld [smem:$0x3FAD];
	_ =	sdelay $0x3  }
0x33: {  	p0 =	seq.s32 s10, $0x1;
	s10 =	sld [smem:$0x3FAF];
	_ =	sdelay $0x3  }
0x34: {  	[smem:$0x3FAF] =	sst s10  }
0x35: {  	s10 =	sld [smem:$0x3FAE];
	_ =	sdelay $0x3  }
0x36: {  	p1 =	seq.s32 s10, $0x1;
	s10 =	sld [smem:$0x3FAF];
	_ =	sdelay $0x3  }
0x37: {  	[smem:$0x3FAF] =	sst s10  }
0x38: {  	s10 =	sld [smem:$0x3FB0]  }
0x39: {  	_ = 	snop;
	(pc) =	sbr.ind lr, $3  }
0x3a: {  	_ = 	snop  }
0x3b: {  	_ = 	snop  }
0x3c: {  	p2 =	seq.s32 s10, $0x1;
	s10 =	sld [smem:$0x3FAF]  }
0x3d: {  	_ =	shalt  }
0x3e: {  	_ =	shalt  }
0x3f: {  	_ =	shalt  }
0x40: {  	_ =	shalt  }
0x41: {  	_ =	shalt  }
0x42: {  	_ =	shalt  }
0x43: {  	_ =	shalt  }
0x44: {  	_ =	shalt  }
0x45: {  	_ =	shalt  }
0x46: {  	_ =	shalt  }
0x47: {  	_ =	shalt  }
0x48: {  	_ =	shalt  }
0x49: {  	_ =	shalt  }
0x4a: {  	_ =	shalt  }
0x4b: {  	_ =	shalt  }
0x4c: {  	_ =	shalt  }
0x4d: {  	_ =	shalt  }
0x4e: {  	_ =	shalt  }
0x4f: {  	_ =	shalt  }
0x50: {  	_ =	shalt  }
0x51: {  	_ =	shalt  }
0x52: {  	_ =	shalt  }
0x53: {  	_ =	shalt  }
0x54: {  	_ =	shalt  }
0x55: {  	_ =	shalt  }
0x56: {  	_ =	shalt  }
0x57: {  	_ =	shalt  }
0x58: {  	_ =	shalt  }
0x59: {  	_ =	shalt  }
0x5a: {  	_ =	shalt  }
0x5b: {  	_ =	shalt  }
0x5c: {  	_ =	shalt  }
0x5d: {  	_ =	shalt  }
0x5e: {  	_ =	shalt  }
0x5f: {  	_ =	shalt  }
0x60: {  	_ =	shalt  }
0x61: {  	_ =	shalt  }
0x62: {  	_ =	shalt  }
0x63: {  	_ =	shalt  }
0x64: {  	_ =	shalt  }
0x65: {  	_ =	shalt  }
0x66: {  	_ =	shalt  }
0x67: {  	_ =	shalt  }
0x68: {  	_ =	shalt  }
0x69: {  	_ =	shalt  }
0x6a: {  	_ =	shalt  }
0x6b: {  	_ =	shalt  }
0x6c: {  	_ =	shalt  }
0x6d: {  	_ =	shalt  }
0x6e: {  	_ =	shalt  }
0x6f: {  	_ =	shalt  }
0x70: {  	_ =	shalt  }
0x71: {  	_ =	shalt  }
0x72: {  	_ =	shalt  }
0x73: {  	_ =	shalt  }
0x74: {  	_ =	shalt  }
0x75: {  	_ =	shalt  }
0x76: {  	_ =	shalt  }
0x77: {  	_ =	shalt  }
0x78: {  	_ =	shalt  }
0x79: {  	_ =	shalt  }
0x7a: {  	_ =	shalt  }
0x7b: {  	_ =	shalt  }
0x7c: {  	_ =	shalt  }
0x7d: {  	_ =	shalt  }
0x7e: {  	_ =	shalt  }
0x7f: {  	_ =	shalt  }
0x80: {  	_ =	shalt  }
0x81: {  	_ =	shalt  }
0x82: {  	_ =	shalt  }
0x83: {  	_ =	shalt  }
0x84: {  	_ =	shalt  }
0x85: {  	_ =	shalt  }
0x86: {  	_ =	shalt  }
0x87: {  	_ =	shalt  }
.Lfunc_end0:
.L_simem_size_0:
called_computation_lowered:
.L_overlay_start_0:
0x88: {  	s2 =	sld [smem:$0x3FD9]  }
0x89: {  	s3 =	sld [smem:$0x3FFE];
	_ =	sdelay $0x1  }
0x8a: {  	s1 =	srdreg.scid  }
0x8b: {  	s0 =	sand.u32 $0x1, s1  }
0x8c: {  	s17 =	sshll.u32 s0, $0xA;
	s2 =	sadd.s32 s3, s2  }
0x8d: {  	s2 =	sadd.s32 s2, s17  }
0x8e: {  	[smem:$0x3FBB] =	sst s2  }
0x8f: {  	_ = 	snop  }
0x90: {  	s2 =	sld [smem:$0x3FD0];
	(tm) =	ssettm $0x1  }
0x91: {  	s18 =	sld [smem:$0x3FFB];
	_ =	sdelay $0x3  }
0x92: {  	_ =	strace s18  }
0x93: {  	s3 =	sld [smem:$0x3FFC];
	_ =	sdelay $0x3  }
0x94: {  	_ =	strace s3  }
0x95: {  	s3 =	sld [smem:$0x3FFD];
	_ =	sdelay $0x3  }
0x96: {  	_ =	strace s3  }
0x97: {  	_ =	strace $0x8FFFFFFF  }
0x98: {  	s19 =	sld [smem:$0x3FDB];
	_ =	sdelay $0x1  }
0x99: {  	s4 =	simm.s32 $_scs_section_size  }
0x9a: {  	s5 =	simm.s32 $_size__tile_overlayer_lowered;
	s6 =	simm.s32 $_tile_overlayer_lowered  }
0x9b: {  	s22 =	simm.s32 $0x1BFF;
	s21 =	sshll.u32 s6, $0x1;
	s3 =	sadd.s32 s4, s19  }
0x9c: {  	s7 =	simm.s32 $0x0;
	s20 =	sshll.u32 s5, $0x1;
	s5 =	sadd.s32 s21, s3  }
0x9d: {  	[timem:s7], [sflag:s22] =	dma.local [hbm:s5], s20  }
0x9e: {  	_ =	swait.ge [sflag:s22], s20  }
0x9f: {  	s4 =	ssub.s32 $0x0, s20;
	[sflag:s22] =	ssyncset.done $0x0  }
0xa0: {  	[sflag:s22] =	ssyncadd.s32 s4;
	_ =	sdelay $0x1  }
0xa1: {  	s23 =	simm.s32 $0x1B8B  }
0xa2: {  	_ =	swait.ge [sflag:s23], $0x1  }
0xa3: {  	[sflag:s23] =	ssyncset.done $0x0  }
0xa4: {  	s25 =	simm.s32 $0x1B8E;
	s24 =	sld [smem:$0x3FFE];
	[sflag:s23] =	ssyncadd.s32 $0xFFFFFFFF  }
0xa5: {  	s26 =	simm.s32 $execute0_lowered;
	[smem:$0x3FD2] =	sst s25  }
0xa6: {  	s5 =	sshll.u32 s26, $0x1;
	_ =	strace $0x80000046;
	[dreg:$0x1] =	wrdreg $0xFFFFFFFF  }
0xa7: {  	s28 =	simm.s32 $_size_execute0_lowered;
	s3 =	sadd.s32 s3, s5;
	[dreg:$0x0] =	wrdreg $0x0  }
0xa8: {  	s5 =	sshll.u32 s28, $0x1;
	[dreg:$0x2] =	wrdreg s3  }
0xa9: {  	[dreg:$0x3] =	wrdreg s5  }
0xaa: {  	[dreg:$0x4] =	wrdreg $0xC0  }
0xab: {  	_ =	task [dreg:s7], $0x5FFFF  }
0xac: {  	[dreg:$0x1] =	wrdreg $0xFFFFFFFF  }
0xad: {  	[dreg:$0x0] =	wrdreg $0x60  }
0xae: {  	[dreg:$0x2] =	wrdreg s2  }
0xaf: {  	[dreg:$0x3] =	wrdreg s24  }
0xb0: {  	[dreg:$0x4] =	wrdreg $0x0  }
0xb1: {  	[dreg:$0x5] =	wrdreg $0x140000  }
0xb2: {  	[dreg:$0x6] =	wrdreg $0x9  }
0xb3: {  	_ =	task.clear_ibuf [dreg:s7], $0x7FFFF;
	_ =	strace $0x90000046  }
0xb4: {  	s29 =	simm.s32 $0x9;
	_ =	strace $0x80000048  }
0xb5: {  	_ =	swait.ge [sflag:s29], $0x1  }
0xb6: {  	[sflag:s29] =	ssyncadd.s32 $0xFFFFFFFF  }
0xb7: {  	_ =	strace $0x90000048  }
0xb8: {  	_ =	sfence  }
0xb9: {  	s30 =	sld [smem:$0x0];
	_ =	sdelay $0x2  }
0xba: {  	s31 =	sshll.u32 s1, $0xD;
	s1 =	sshrl.u32 s1, $0x2  }
0xbb: {  	s3 =	sand.u32 $0x4000, s31;
	s1 =	sadd.s32 s1, s30  }
0xbc: {  	s0 =	sor.u32 s3, s0;
	s1 =	sshll.u32 s1, $0x11  }
0xbd: {  	s0 =	sor.u32 s1, s0  }
0xbe: {  	s0 =	sadd.s32 $0x8F2B, s0  }
0xbf: {  	[sflag:s0] =	ssyncadd.remote.s32 $0x1  }
0xc0: {  	_ =	sfence.sel $0xFFFF  }
0xc1: {  	[dreg:$0x0] =	wrdreg $0xFFFFFFFF;
	(pc) =	sbr.abs _section_cstart, $3  }
0xc2: {  	[dreg:$0x1] =	wrdreg $0xFFFFFFFF  }
0xc3: {  	_ =	task.clear_ibuf [dreg:s7], $0x2FFFF;
	_ =	strace $0x9FFFFFFF  }
0xc4: {  	(tm) =	ssettm $0x7FFFFFFF  }
0xc5: {  	_ =	shalt  }
tec
execute0_lowered:
.L_overlay_start_1:
0x0: {  	(tag) =	ssettag $0x1  }
0x1: {  	s1 =	rddreg [dreg:$0x0]  }
0x2: {  	s0 =	rddreg [dreg:$0x1]  }
0x3: {  	s28 =	rddreg [dreg:$0x2]  }
0x4: {  	s2 =	rddreg [dreg:$0x3];
	s3 =	stileid.u32  }
0x5: {  	s4 =	srdreg.scid;
	s5 =	simm.s32 $0x0;
	s10 =	smul.u32 $0x14000, s3  }
0x6: {  	s29 =	simm.s32 $0x18180;
	s30 =	simm.s32 $0x19580;
	s11 =	smul.u32 $0x500, s3  }
0x7: {  	s4 =	sand.u32 $0x1, s4;
	[smem:$0x7FF] =	sst s5;
	s13 =	smul.u32 $0x50000, s3  }
0x8: {  	s6 =	sadd.s32 $0x1F800, s0;
	s7 =	sadd.s32 $0x15A00, s0;
	s14 =	smul.u32 $0xA00, s3  }
0x9: {  	s8 =	sadd.s32 $0xBC00, s0;
	s9 =	smul.u32 $0x140000, s4;
	_ =	strace $0x80000047  }
0xa: {  	s12 =	sshll.u32 s4, $0x7;
	s17 =	sshll.u32 s4, $0x4;
	s4 =	ssub.s32 $0x2, s4  }
0xb: {  	s11 =	sor.u32 s12, s11;
	s12 =	sor.u32 s3, s17;
	s15 =	sshrl.u32 s4, $0x1  }
0xc: {  	s18 =	sshrl.u32 s13, $0x2;
	s19 =	sshrl.u32 s14, $0x2;
	s14 =	smov.u32 s2  }
0xd: {  	s10 =	sadd.s32 s10, s9;
	s9 =	sadd.s32 $0x1E00, s0;
	s11 =	sshrl.u32 s11, $0x3  }
0xe: {  	s16 =	smul.u32 $0x2710, s12;
	s4 =	ssub.s32 s4, s15;
	s3 =	sadd.s32 s18, s28  }
0xf: {  	s17 =	sadd.s32 s19, s2;
	s24 =	smul.u32 $0x138800, s12;
	[dreg:$0x5] =	wrdreg s3  }
0x10: {  	s12 =	smul.u32 $0x27100, s12;
	s10 =	sshrl.u32 s10, $0x3;
	[dreg:$0x6] =	wrdreg s17  }
0x11: {  	s10 =	sadd.s32 s10, s0;
	s0 =	sadd.s32 s11, s0;
	s20 =	sshrl.u32 s16, $0x3  }
0x12: {  	s23 =	sadd.s32 $0x28, s16;
	s11 =	sshrl.u32 s24, $0x3;
	s15 =	sadd.s32 s6, s12  }
0x13: {  	s18 =	sadd.s32 $0x50, s16;
	s24 =	sadd.s32 $0x4000, s3;
	[dreg:$0xd] =	wrdreg s15  }
0x14: {  	s12 =	simm.s32 $0x14380;
	s21 =	sadd.s32 s8, s20;
	[dreg:$0xe] =	wrdreg s18  }
0x15: {  	s22 =	sadd.s32 s9, s20;
	s25 =	sadd.s32 s7, s20;
	[dreg:$0x13] =	wrdreg s24  }
0x16: {  	s20 =	smov.u32 s23;
	s26 =	sshrl.u32 s23, $0x3;
	[dreg:$0x7] =	wrdreg s21  }
0x17: {  	s11 =	sadd.s32 s6, s11;
	s0 =	sadd.s32 $0x501800, s0;
	[dreg:$0x8] =	wrdreg s22  }
0x18: {  	s23 =	smax.u32 s4, $0x1;
	s4 =	simm.s32 $0x14280;
	[dreg:$0x9] =	wrdreg s25  }
0x19: {  	s15 =	simm.s32 $0x14300;
	s18 =	simm.s32 $0x1;
	[dreg:$0x11] =	wrdreg s0  }
0x1a: {  	s24 =	simm.s32 $0x3;
	s2 =	sadd.s32 s8, s26;
	[dreg:$0x12] =	wrdreg s23  }
0x1b: {  	s31 =	sadd.s32 s9, s26;
	s13 =	sadd.s32 s7, s26;
	[dreg:$0xa] =	wrdreg s2  }
0x1c: {  	s21 =	sadd.s32 $0x78, s16;
	s19 =	sadd.s32 $0x26E80, s11;
	[dreg:$0xb] =	wrdreg s31  }
0x1d: {  	s22 =	sadd.s32 $0x502200, s10;
	s25 =	sadd.s32 $0x8000, s3;
	[dreg:$0xc] =	wrdreg s13  }
0x1e: {  	s26 =	sadd.s32 $0xC000, s3;
	s0 =	simm.s32 $0x6;
	[dreg:$0xf] =	wrdreg s19  }
0x1f: {  	s16 =	simm.s32 $0x14400;
	s23 =	simm.s32 $0x16D80;
	[dreg:$0x10] =	wrdreg s22  }
0x20: {  	s11 =	simm.s32 $0x4;
	s10 =	simm.s32 $0x0;
	[dreg:$0x14] =	wrdreg s25  }
0x21: {  	[dreg:$0x15] =	wrdreg s26;
	s31 =	sadd.s32 $0x10000, s3;
	s19 =	simm.s32 $0x28  }
0x22: {  	v0 =	vimm.f32 $0.0e+00;
	v1 =	vimm.f32 $1.000000000e+00;
	s25 =	simm.s32 $0x5;
	s26 =	simm.s32 $0x2;
	[dreg:$0x16] =	wrdreg s31  }
.LBB2_1:
0x23: {  	[dreg:$0x17] =	wrdreg s10;
	s10 =	simm.s32 $0x0;
	s13 =	simm.s32 $0x200  }
.LBB2_2:
0x24: {  	p0 =	sne.s32 s13, $0xFE00;
	[tilespmem:s10+$0x19670] =	vst v0  }
0x25: {  	[tilespmem:s10+$0x19600] =	vst v0  }
0x26: {  	[tilespmem:s10+$0x19610] =	vst v0  }
.Ltmp0:
0x27: {  	[tilespmem:s10+$0x19620] =	vst v0;
	(pc) =	sbr.rel @p0 .LBB2_2-.Ltmp0, $4  }
0x28: {  	[tilespmem:s10+$0x19630] =	vst v0  }
0x29: {  	[tilespmem:s10+$0x19640] =	vst v0  }
0x2a: {  	[tilespmem:s10+$0x19650] =	vst v0  }
0x2b: {  	[tilespmem:s10+$0x19660] =	vst v0;
	s10 =	sshra.s32 s13, $0x2;
	s13 =	sadd.s32 $0x200, s13  }
0x2c: {  	[tilespmem:s10+$0x19670] =	vst v0  }
0x2d: {  	[tilespmem:s10+$0x19600] =	vst v0  }
0x2e: {  	[tilespmem:s10+$0x19610] =	vst v0  }
0x2f: {  	[tilespmem:s10+$0x19620] =	vst v0  }
0x30: {  	[tilespmem:s10+$0x19630] =	vst v0  }
0x31: {  	[tilespmem:s10+$0x19640] =	vst v0  }
0x32: {  	[tilespmem:s10+$0x19650] =	vst v0  }
0x33: {  	[tilespmem:s10+$0x19660] =	vst v0  }
0x34: {  	[tilespmem:$0x1D600] =	vst v0  }
0x35: {  	[tilespmem:$0x1D610] =	vst v0  }
0x36: {  	[tilespmem:$0x1D620] =	vst v0  }
0x37: {  	[tilespmem:$0x1D630] =	vst v0  }
0x38: {  	[tilespmem:$0x1D640] =	vst v0  }
0x39: {  	[tilespmem:$0x1D650] =	vst v0  }
0x3a: {  	[tilespmem:$0x1D660] =	vst v0  }
0x3b: {  	[tilespmem:$0x1D670] =	vst v0  }
0x3c: {  	[tilespmem:$0x1D680] =	vst v0  }
0x3d: {  	[tilespmem:$0x1D690] =	vst v0  }
0x3e: {  	[tilespmem:$0x1D6A0] =	vst v0  }
0x3f: {  	[tilespmem:$0x1D6B0] =	vst v0  }
0x40: {  	[tilespmem:$0x1D6C0] =	vst v0  }
0x41: {  	[tilespmem:$0x1D6D0] =	vst v0  }
0x42: {  	[tilespmem:$0x1D6E0] =	vst v0  }
0x43: {  	[tilespmem:$0x1D6F0] =	vst v0  }
0x44: {  	[tilespmem:$0x1D700] =	vst v0  }
0x45: {  	[tilespmem:$0x1D710] =	vst v0  }
0x46: {  	[tilespmem:$0x1D720] =	vst v0  }
0x47: {  	[tilespmem:$0x1D730] =	vst v0  }
0x48: {  	[tilespmem:$0x1D740] =	vst v0  }
0x49: {  	[tilespmem:$0x1D750] =	vst v0  }
0x4a: {  	[tilespmem:$0x1D760] =	vst v0  }
0x4b: {  	[tilespmem:$0x1D770] =	vst v0  }
0x4c: {  	[tilespmem:$0x1D780] =	vst v0  }
0x4d: {  	[tilespmem:$0x1D790] =	vst v0  }
0x4e: {  	[tilespmem:$0x1D7A0] =	vst v0  }
0x4f: {  	[tilespmem:$0x1D7B0] =	vst v0  }
0x50: {  	[tilespmem:$0x1D7C0] =	vst v0  }
0x51: {  	[tilespmem:$0x1D7D0] =	vst v0  }
0x52: {  	[tilespmem:$0x1D7E0] =	vst v0  }
0x53: {  	[tilespmem:$0x1D7F0] =	vst v0  }
0x54: {  	[tilespmem:$0x1D800] =	vst v0  }
0x55: {  	[tilespmem:$0x1D810] =	vst v0  }
0x56: {  	[tilespmem:$0x1D820] =	vst v0  }
0x57: {  	[tilespmem:$0x1D830] =	vst v0  }
0x58: {  	[tilespmem:$0x1D840] =	vst v0  }
0x59: {  	[tilespmem:$0x1D850] =	vst v0  }
0x5a: {  	[tilespmem:$0x1D860] =	vst v0  }
0x5b: {  	[tilespmem:$0x1D870] =	vst v0  }
0x5c: {  	[tilespmem:$0x19580] =	vst v1  }
0x5d: {  	[tilespmem:$0x19590] =	vst v1  }
0x5e: {  	s10 =	simm.s32 $0x19600;
	[tilespmem:$0x19598] =	vst v1  }
0x5f: {  	[spmem:s3] =	stream.linear.scatter [tilespmem:s10], [sflag:$0x6], $0x4000, $0x38;
	[tilespmem:$0x1D880] =	vst v63  }
0x60: {  	_ =	swait.ge [sflag:s0], $0x4000  }
0x61: {  	[sflag:s0] =	ssyncset.done $0x0  }
0x62: {  	s2 =	rddreg [dreg:$0x13];
	[sflag:s0] =	ssyncadd.s32 $0xFFFFC000  }
0x63: {  	[spmem:s2] =	stream.linear.scatter [tilespmem:s10], [sflag:$0x6], $0x4000, $0x38;
	[tilespmem:$0x1D880] =	vst v63  }
0x64: {  	_ =	swait.ge [sflag:s0], $0x4000  }
0x65: {  	[sflag:s0] =	ssyncset.done $0x0  }
0x66: {  	s22 =	rddreg [dreg:$0x14];
	[sflag:s0] =	ssyncadd.s32 $0xFFFFC000  }
0x67: {  	[spmem:s22] =	stream.linear.scatter [tilespmem:s10], [sflag:$0x6], $0x4000, $0x38;
	[tilespmem:$0x1D880] =	vst v63  }
0x68: {  	_ =	swait.ge [sflag:s0], $0x4000  }
0x69: {  	[sflag:s0] =	ssyncset.done $0x0  }
0x6a: {  	s3 =	rddreg [dreg:$0x15];
	[sflag:s0] =	ssyncadd.s32 $0xFFFFC000  }
0x6b: {  	[spmem:s3] =	stream.linear.scatter [tilespmem:s10], [sflag:$0x6], $0x4000, $0x38;
	[tilespmem:$0x1D880] =	vst v63  }
0x6c: {  	_ =	swait.ge [sflag:s0], $0x4000  }
0x6d: {  	[sflag:s0] =	ssyncset.done $0x0  }
0x6e: {  	s13 =	rddreg [dreg:$0x16];
	[sflag:s0] =	ssyncadd.s32 $0xFFFFC000  }
0x6f: {  	[spmem:s13] =	stream.linear.scatter [tilespmem:s10], [sflag:$0x6], $0x4000, $0x38;
	[tilespmem:$0x1D880] =	vst v63  }
0x70: {  	_ =	swait.ge [sflag:s0], $0x4000  }
0x71: {  	[sflag:s0] =	ssyncset.done $0x0  }
0x72: {  	s22 =	simm.s32 $0x1D600;
	[sflag:s0] =	ssyncadd.s32 $0xFFFFC000  }
0x73: {  	[spmem:s17] =	stream.linear.scatter [tilespmem:s22], [sflag:$0x6], $0x280, $0x38;
	[tilespmem:$0x1D880] =	vst v63  }
0x74: {  	_ =	swait.ge [sflag:s0], $0x280  }
0x75: {  	[sflag:s0] =	ssyncset.done $0x0  }
0x76: {  	[sflag:s0] =	ssyncadd.s32 $0xFFFFFD80  }
0x77: {  	[bflag:$0x0] =	sbarrier.arrive $0xFFFF  }
0x78: {  	s31 =	simm.s32 $0x0;
	s3 =	rddreg [dreg:$0x7]  }
0x79: {  	[tilespmem:s4], [sflag:$0x1] =	stream.linear.gather [hbm4b:s3+s31], $0x28, $0x38;
	[tilespmem:$0x1D880] =	vst v63  }
0x7a: {  	s10 =	rddreg [dreg:$0x8]  }
0x7b: {  	[tilespmem:s12], [sflag:$0x1] =	stream.linear.gather [hbm4b:s10+s31], $0x28, $0x38;
	[tilespmem:$0x1D880] =	vst v63  }
0x7c: {  	s17 =	simm.s32 $0x14480;
	s13 =	rddreg [dreg:$0x9]  }
0x7d: {  	[tilespmem:s17], [sflag:$0x1] =	stream.linear.gather [hbm4b:s13+s31], $0x28, $0x38;
	[tilespmem:$0x1D880] =	vst v63  }
0x7e: {  	s22 =	rddreg [dreg:$0xa]  }
0x7f: {  	[tilespmem:s15], [sflag:$0x2] =	stream.linear.gather [hbm4b:s22+s31], $0x28, $0x38;
	[tilespmem:$0x1D880] =	vst v63  }
0x80: {  	s3 =	rddreg [dreg:$0xb]  }
0x81: {  	[tilespmem:s16], [sflag:$0x2] =	stream.linear.gather [hbm4b:s3+s31], $0x28, $0x38;
	[tilespmem:$0x1D880] =	vst v63  }
0x82: {  	s10 =	rddreg [dreg:$0xc];
	s13 =	simm.s32 $0x14500  }
0x83: {  	[tilespmem:s13], [sflag:$0x2] =	stream.linear.gather [hbm4b:s10+s31], $0x28, $0x38;
	[tilespmem:$0x1D880] =	vst v63  }
0x84: {  	_ =	swait.ge [sflag:s18], $0x28  }
0x85: {  	[sflag:s18] =	ssyncset.done $0x0  }
0x86: {  	[sflag:s18] =	ssyncadd.s32 $0xFFFFFFD8  }
0x87: {  	_ =	swait.ge [sflag:s18], $0x28  }
0x88: {  	[sflag:s18] =	ssyncset.done $0x0  }
0x89: {  	[sflag:s18] =	ssyncadd.s32 $0xFFFFFFD8  }
0x8a: {  	_ =	swait.ge [sflag:s18], $0x28  }
0x8b: {  	[sflag:s18] =	ssyncset.done $0x0  }
0x8c: {  	s17 =	simm.s32 $0x14580;
	[sflag:s18] =	ssyncadd.s32 $0xFFFFFFD8  }
0x8d: {  	[tilespmem:s17], [sflag:$0x3] =	stream.indirect.gather [hbm4b:s1+s19], $0x80, s4, s19, $0xb8;
	[tilespmem:$0x1D880] =	vst v63  }
0x8e: {  	s22 =	rddreg [dreg:$0xd]  }
0x8f: {  	[tilespmem:s23], [sflag:$0x5] =	stream.linear.gather [hbm4b:s22+s31], $0x1400, $0x38;
	[tilespmem:$0x1D880] =	vst v63  }
0x90: {  	_ =	swait.ge [sflag:s24], $0x1400  }
0x91: {  	[sflag:s24] =	ssyncset.done $0x0  }
0x92: {  	[sflag:s24] =	ssyncadd.s32 $0xFFFFEC00  }
0x93: {  	_ =	swait.ge [sflag:s25], $0x1400  }
0x94: {  	[sflag:s25] =	ssyncset.done $0x0  }
0x95: {  	[sflag:s25] =	ssyncadd.s32 $0xFFFFEC00  }
.LBB2_4:
0x96: {  	_ =	swait.ge [sflag:s26], $0x28  }
0x97: {  	[sflag:s26] =	ssyncset.done $0x0  }
0x98: {  	[sflag:s26] =	ssyncadd.s32 $0xFFFFFFD8  }
0x99: {  	_ =	swait.ge [sflag:s26], $0x28  }
0x9a: {  	[sflag:s26] =	ssyncset.done $0x0  }
0x9b: {  	[sflag:s26] =	ssyncadd.s32 $0xFFFFFFD8  }
0x9c: {  	_ =	swait.ge [sflag:s26], $0x28  }
0x9d: {  	[sflag:s26] =	ssyncset.done $0x0  }
0x9e: {  	s2 =	simm.s32 $0x15980;
	s22 =	simm.s32 $0x0;
	[sflag:s26] =	ssyncadd.s32 $0xFFFFFFD8  }
0x9f: {  	[tilespmem:s2], [sflag:$0x4] =	stream.indirect.gather [hbm4b:s1+s19], $0x80, s15, s19, $0xb8;
	[tilespmem:$0x1D880] =	vst v63  }
0xa0: {  	v5 =	vld [tilespmem:s22+$0x14580]  }
0xa1: {  	v6 =	vld [tilespmem:s22+$0x16D80]  }
0xa2: {  	v8 =	vld [tilespmem:s22+$0x14590]  }
0xa3: {  	v9 =	vld [tilespmem:s22+$0x16D90]  }
0xa4: {  	v10 =	vld [tilespmem:s22+$0x145A0]  }
0xa5: {  	v11 =	vld [tilespmem:s22+$0x16DA0]  }
0xa6: {  	v12 =	vld [tilespmem:s22+$0x145B0]  }
0xa7: {  	v13 =	vld [tilespmem:s22+$0x16DB0]  }
0xa8: {  	v14 =	vld [tilespmem:s22+$0x145C0]  }
0xa9: {  	v15 =	vld [tilespmem:s22+$0x16DC0]  }
0xaa: {  	v16 =	vld [tilespmem:s22+$0x145D0]  }
0xab: {  	v17 =	vld [tilespmem:s22+$0x16DD0]  }
0xac: {  	s13 =	simm.s32 $0x14480;
	v18 =	vld [tilespmem:s22+$0x145E0]  }
0xad: {  	s10 =	simm.s32 $0x80;
	v19 =	vld.msk [tilespmem:s13+$0x0 ss:$0x0], $0xffff  }
0xae: {  	v7 =	vld [tilespmem:s10+$0x14580]  }
0xaf: {  	v2 =	vld [tilespmem:s10+$0x16D80]  }
0xb0: {  	v3 =	vld [tilespmem:s10+$0x14590]  }
0xb1: {  	v4 =	vld [tilespmem:s10+$0x16D90]  }
0xb2: {  	v22 =	vld [tilespmem:s22+$0x16DE0]  }
0xb3: {  	v62 =	vld [tilespmem:s22+$0x145F0]  }
0xb4: {  	v20 =	vmul.f32 v6, v5;
	v5 =	vld [tilespmem:s10+$0x145A0]  }
0xb5: {  	v6 =	vld [tilespmem:s10+$0x16DA0];
	v21 =	vmul.f32 v9, v8;
	v11 =	vmul.f32 v11, v10  }
0xb6: {  	v14 =	vmul.f32 v15, v14;
	v15 =	vld [tilespmem:s22+$0x16DF0];
	v20 =	vmul.f32 v20, v19  }
0xb7: {  	v8 =	vld [tilespmem:s10+$0x145B0];
	v12 =	vmul.f32 v13, v12;
	v21 =	vmul.f32 v21, v19  }
0xb8: {  	v9 =	vld [tilespmem:s10+$0x16DB0];
	v13 =	vmul.f32 v11, v19;
	[tilespmem:s22+$0x18180] =	vst v20  }
0xb9: {  	v16 =	vmul.f32 v17, v16;
	v63 =	vmul.f32 v12, v19;
	v10 =	vld [tilespmem:s10+$0x145C0];
	[tilespmem:s22+$0x18190] =	vst v21  }
0xba: {  	v17 =	vmul.f32 v22, v18;
	v14 =	vmul.f32 v14, v19;
	v11 =	vld [tilespmem:s10+$0x16DC0];
	[tilespmem:s22+$0x181A0] =	vst v13  }
0xbb: {  	v16 =	vmul.f32 v16, v19;
	v18 =	vmul.f32 v15, v62;
	v12 =	vld [tilespmem:s10+$0x145D0];
	[tilespmem:s22+$0x181B0] =	vst v63  }
0xbc: {  	v17 =	vmul.f32 v17, v19;
	v13 =	vld [tilespmem:s10+$0x16DD0];
	[tilespmem:s22+$0x181C0] =	vst v14  }
0xbd: {  	v18 =	vmul.f32 v18, v19;
	v14 =	vld [tilespmem:s10+$0x145E0];
	[tilespmem:s22+$0x181D0] =	vst v16  }
0xbe: {  	v15 =	vld [tilespmem:s10+$0x16DE0];
	[tilespmem:s22+$0x181E0] =	vst v17  }
0xbf: {  	s17 =	simm.s32 $0x400;
	v16 =	vld [tilespmem:s10+$0x145F0];
	[tilespmem:s22+$0x181F0] =	vst v18  }
.LBB2_5:
0xc0: {  	p0 =	sne.s32 s17, $0x4E00;
	v17 =	vld [tilespmem:s10+$0x16DF0];
	s13 =	sadd.s32 $0x1, s13  }
0xc1: {  	s22 =	sshra.s32 s17, $0x2;
	v18 =	vld.msk [tilespmem:s13+$0x0 ss:$0x0], $0xffff  }
0xc2: {  	v19 =	vld [tilespmem:s22+$0x14580]  }
0xc3: {  	v7 =	vmul.f32 v2, v7;
	v20 =	vmul.f32 v4, v3;
	v2 =	vld [tilespmem:s22+$0x16D80]  }
0xc4: {  	v21 =	vmul.f32 v6, v5;
	v9 =	vmul.f32 v9, v8;
	v3 =	vld [tilespmem:s22+$0x14590]  }
0xc5: {  	v10 =	vmul.f32 v11, v10;
	v11 =	vmul.f32 v13, v12;
	v4 =	vld [tilespmem:s22+$0x16D90]  }
0xc6: {  	v12 =	vmul.f32 v15, v14;
	v13 =	vmul.f32 v17, v16;
	v5 =	vld [tilespmem:s22+$0x145A0]  }
0xc7: {  	v14 =	vmul.f32 v7, v18;
	v15 =	vmul.f32 v20, v18;
	v6 =	vld [tilespmem:s22+$0x16DA0];
	v7 =	vmov v19  }
0xc8: {  	v16 =	vmul.f32 v21, v18;
	v17 =	vmul.f32 v9, v18;
	v8 =	vld [tilespmem:s22+$0x145B0]  }
0xc9: {  	v19 =	vmul.f32 v11, v18;
	v9 =	vld [tilespmem:s22+$0x16DB0];
	[tilespmem:s10+$0x18180] =	vst v14;
	v14 =	vmul.f32 v10, v18  }
0xca: {  	v20 =	vmul.f32 v12, v18;
	v18 =	vmul.f32 v13, v18;
	v10 =	vld [tilespmem:s22+$0x145C0];
	[tilespmem:s10+$0x18190] =	vst v15  }
0xcb: {  	v11 =	vld [tilespmem:s22+$0x16DC0];
	[tilespmem:s10+$0x181A0] =	vst v16  }
.Ltmp1:
0xcc: {  	v12 =	vld [tilespmem:s22+$0x145D0];
	[tilespmem:s10+$0x181B0] =	vst v17;
	(pc) =	sbr.rel @p0 .LBB2_5-.Ltmp1, $4  }
0xcd: {  	v13 =	vld [tilespmem:s22+$0x16DD0];
	[tilespmem:s10+$0x181C0] =	vst v14  }
0xce: {  	v14 =	vld [tilespmem:s22+$0x145E0];
	[tilespmem:s10+$0x181D0] =	vst v19  }
0xcf: {  	v15 =	vld [tilespmem:s22+$0x16DE0];
	[tilespmem:s10+$0x181E0] =	vst v20  }
0xd0: {  	s17 =	sadd.s32 $0x200, s17;
	v16 =	vld [tilespmem:s22+$0x145F0];
	[tilespmem:s10+$0x181F0] =	vst v18;
	s10 =	smov.u32 s22  }
0xd1: {  	s13 =	sadd.s32 $0x1, s13  }
0xd2: {  	v17 =	vld.msk [tilespmem:s13+$0x0 ss:$0x0], $0xffff;
	_ =	sdelay $0x2  }
0xd3: {  	v2 =	vmul.f32 v2, v7;
	v3 =	vmul.f32 v4, v3;
	v4 =	vld [tilespmem:s10+$0x16DF0];
	_ =	sdelay $0x1  }
0xd4: {  	v5 =	vmul.f32 v6, v5;
	v2 =	vmul.f32 v2, v17  }
0xd5: {  	v6 =	vmul.f32 v9, v8;
	v3 =	vmul.f32 v3, v17  }
0xd6: {  	v7 =	vmul.f32 v11, v10;
	v5 =	vmul.f32 v5, v17;
	[tilespmem:s10+$0x18180] =	vst v2  }
0xd7: {  	v4 =	vmul.f32 v4, v16;
	v6 =	vmul.f32 v6, v17;
	[tilespmem:s10+$0x18190] =	vst v3  }
0xd8: {  	v7 =	vmul.f32 v7, v17;
	v2 =	vmul.f32 v13, v12;
	[tilespmem:s10+$0x181A0] =	vst v5  }
0xd9: {  	v4 =	vmul.f32 v4, v17;
	v3 =	vmul.f32 v15, v14;
	[tilespmem:s10+$0x181B0] =	vst v6  }
0xda: {  	[tilespmem:s10+$0x181C0] =	vst v7;
	v2 =	vmul.f32 v2, v17  }
0xdb: {  	[tilespmem:s10+$0x181F0] =	vst v4;
	v3 =	vmul.f32 v3, v17  }
0xdc: {  	[tilespmem:s10+$0x181D0] =	vst v2  }
0xdd: {  	[tilespmem:s10+$0x181E0] =	vst v3  }
0xde: {  	[spmem:s28] =	stream.indirect.scatter.add.f32 [tilespmem:s29], [sflag:$0x6], $0x80, s12, s19, $0xb8;
	[tilespmem:$0x1D880] =	vst v63  }
0xdf: {  	_ =	swait.ge [sflag:s0], $0x1400  }
0xe0: {  	[sflag:s0] =	ssyncset.done $0x0  }
0xe1: {  	s10 =	smul.u32 $0x50, s31;
	[sflag:s0] =	ssyncadd.s32 $0xFFFFEC00  }
0xe2: {  	[spmem:s14] =	stream.indirect.scatter.add.f32 [tilespmem:s30], [sflag:$0x6], $0x1, s12, s19, $0xb8;
	[tilespmem:$0x1D880] =	vst v63  }
0xe3: {  	s17 =	sadd.s32 s10, s20;
	_ =	swait.ge [sflag:s0], $0x28  }
0xe4: {  	s13 =	sshll.u32 s17, $0x4;
	s17 =	simm.s32 $0x0;
	[sflag:s0] =	ssyncset.done $0x0  }
0xe5: {  	s13 =	sadd.s32 s6, s13;
	s2 =	rddreg [dreg:$0xe];
	[sflag:s0] =	ssyncadd.s32 $0xFFFFFFD8  }
0xe6: {  	[tilespmem:s23], [sflag:$0x5] =	stream.linear.gather [hbm4b:s13+s17], $0x1400, $0x38;
	[tilespmem:$0x1D880] =	vst v63  }
0xe7: {  	s13 =	sadd.s32 s10, s2  }
0xe8: {  	s22 =	sshrl.u32 s13, $0x3  }
0xe9: {  	s3 =	smov.u32 s28;
	s28 =	sadd.s32 s8, s22  }
0xea: {  	[tilespmem:s4], [sflag:$0x1] =	stream.linear.gather [hbm4b:s28+s17], $0x28, $0x38;
	[tilespmem:$0x1D880] =	vst v63  }
0xeb: {  	s28 =	sadd.s32 s9, s22  }
0xec: {  	[tilespmem:s12], [sflag:$0x1] =	stream.linear.gather [hbm4b:s28+s17], $0x28, $0x38;
	[tilespmem:$0x1D880] =	vst v63  }
0xed: {  	s2 =	simm.s32 $0x14480;
	s22 =	sadd.s32 s7, s22  }
0xee: {  	[tilespmem:s2], [sflag:$0x1] =	stream.linear.gather [hbm4b:s22+s17], $0x28, $0x38;
	[tilespmem:$0x1D880] =	vst v63  }
0xef: {  	_ =	swait.ge [sflag:s11], $0x1400  }
0xf0: {  	[sflag:s11] =	ssyncset.done $0x0  }
0xf1: {  	[sflag:s11] =	ssyncadd.s32 $0xFFFFEC00  }
0xf2: {  	_ =	swait.ge [sflag:s25], $0x1400  }
0xf3: {  	[sflag:s25] =	ssyncset.done $0x0  }
0xf4: {  	[sflag:s25] =	ssyncadd.s32 $0xFFFFEC00  }
0xf5: {  	_ =	swait.ge [sflag:s18], $0x28  }
0xf6: {  	[sflag:s18] =	ssyncset.done $0x0  }
0xf7: {  	[sflag:s18] =	ssyncadd.s32 $0xFFFFFFD8  }
0xf8: {  	_ =	swait.ge [sflag:s18], $0x28  }
0xf9: {  	[sflag:s18] =	ssyncset.done $0x0  }
0xfa: {  	[sflag:s18] =	ssyncadd.s32 $0xFFFFFFD8  }
0xfb: {  	_ =	swait.ge [sflag:s18], $0x28  }
0xfc: {  	[sflag:s18] =	ssyncset.done $0x0  }
0xfd: {  	s28 =	simm.s32 $0x0;
	s22 =	simm.s32 $0x14580;
	[sflag:s18] =	ssyncadd.s32 $0xFFFFFFD8  }
0xfe: {  	[tilespmem:s22], [sflag:$0x3] =	stream.indirect.gather [hbm4b:s1+s19], $0x80, s4, s19, $0xb8;
	[tilespmem:$0x1D880] =	vst v63  }
0xff: {  	v5 =	vld [tilespmem:s28+$0x15980]  }
0x100: {  	v6 =	vld [tilespmem:s28+$0x16D80]  }
0x101: {  	v8 =	vld [tilespmem:s28+$0x15990]  }
0x102: {  	v9 =	vld [tilespmem:s28+$0x16D90]  }
0x103: {  	v10 =	vld [tilespmem:s28+$0x159A0]  }
0x104: {  	v11 =	vld [tilespmem:s28+$0x16DA0]  }
0x105: {  	v12 =	vld [tilespmem:s28+$0x159B0]  }
0x106: {  	v13 =	vld [tilespmem:s28+$0x16DB0]  }
0x107: {  	v14 =	vld [tilespmem:s28+$0x159C0]  }
0x108: {  	v15 =	vld [tilespmem:s28+$0x16DC0]  }
0x109: {  	v16 =	vld [tilespmem:s28+$0x159D0]  }
0x10a: {  	v17 =	vld [tilespmem:s28+$0x16DD0]  }
0x10b: {  	s22 =	simm.s32 $0x14500;
	v18 =	vld [tilespmem:s28+$0x159E0]  }
0x10c: {  	s17 =	simm.s32 $0x80;
	v19 =	vld.msk [tilespmem:s22+$0x0 ss:$0x0], $0xffff  }
0x10d: {  	v7 =	vld [tilespmem:s17+$0x15980]  }
0x10e: {  	v2 =	vld [tilespmem:s17+$0x16D80]  }
0x10f: {  	v3 =	vld [tilespmem:s17+$0x15990]  }
0x110: {  	v4 =	vld [tilespmem:s17+$0x16D90]  }
0x111: {  	v22 =	vld [tilespmem:s28+$0x16DE0]  }
0x112: {  	v62 =	vld [tilespmem:s28+$0x159F0]  }
0x113: {  	v20 =	vmul.f32 v6, v5;
	v5 =	vld [tilespmem:s17+$0x159A0]  }
0x114: {  	v6 =	vld [tilespmem:s17+$0x16DA0];
	v21 =	vmul.f32 v9, v8;
	v11 =	vmul.f32 v11, v10  }
0x115: {  	v14 =	vmul.f32 v15, v14;
	v15 =	vld [tilespmem:s28+$0x16DF0];
	v20 =	vmul.f32 v20, v19  }
0x116: {  	v8 =	vld [tilespmem:s17+$0x159B0];
	v12 =	vmul.f32 v13, v12;
	v21 =	vmul.f32 v21, v19  }
0x117: {  	v9 =	vld [tilespmem:s17+$0x16DB0];
	v13 =	vmul.f32 v11, v19;
	[tilespmem:s28+$0x18180] =	vst v20  }
0x118: {  	v16 =	vmul.f32 v17, v16;
	v63 =	vmul.f32 v12, v19;
	v10 =	vld [tilespmem:s17+$0x159C0];
	[tilespmem:s28+$0x18190] =	vst v21  }
0x119: {  	v17 =	vmul.f32 v22, v18;
	v14 =	vmul.f32 v14, v19;
	v11 =	vld [tilespmem:s17+$0x16DC0];
	[tilespmem:s28+$0x181A0] =	vst v13  }
0x11a: {  	v16 =	vmul.f32 v16, v19;
	v18 =	vmul.f32 v15, v62;
	v12 =	vld [tilespmem:s17+$0x159D0];
	[tilespmem:s28+$0x181B0] =	vst v63  }
0x11b: {  	v17 =	vmul.f32 v17, v19;
	v13 =	vld [tilespmem:s17+$0x16DD0];
	[tilespmem:s28+$0x181C0] =	vst v14  }
0x11c: {  	v18 =	vmul.f32 v18, v19;
	v14 =	vld [tilespmem:s17+$0x159E0];
	[tilespmem:s28+$0x181D0] =	vst v16  }
0x11d: {  	v15 =	vld [tilespmem:s17+$0x16DE0];
	[tilespmem:s28+$0x181E0] =	vst v17  }
0x11e: {  	s2 =	smov.u32 s1;
	v16 =	vld [tilespmem:s17+$0x159F0];
	[tilespmem:s28+$0x181F0] =	vst v18;
	s28 =	simm.s32 $0x400  }
.LBB2_7:
0x11f: {  	p0 =	sne.s32 s28, $0x4E00;
	v17 =	vld [tilespmem:s17+$0x16DF0];
	s22 =	sadd.s32 $0x1, s22  }
0x120: {  	s1 =	sshra.s32 s28, $0x2;
	v18 =	vld.msk [tilespmem:s22+$0x0 ss:$0x0], $0xffff  }
0x121: {  	v19 =	vld [tilespmem:s1+$0x15980]  }
0x122: {  	v7 =	vmul.f32 v2, v7;
	v20 =	vmul.f32 v4, v3;
	v2 =	vld [tilespmem:s1+$0x16D80]  }
0x123: {  	v21 =	vmul.f32 v6, v5;
	v9 =	vmul.f32 v9, v8;
	v3 =	vld [tilespmem:s1+$0x15990]  }
0x124: {  	v10 =	vmul.f32 v11, v10;
	v11 =	vmul.f32 v13, v12;
	v4 =	vld [tilespmem:s1+$0x16D90]  }
0x125: {  	v12 =	vmul.f32 v15, v14;
	v13 =	vmul.f32 v17, v16;
	v5 =	vld [tilespmem:s1+$0x159A0]  }
0x126: {  	v14 =	vmul.f32 v7, v18;
	v15 =	vmul.f32 v20, v18;
	v6 =	vld [tilespmem:s1+$0x16DA0];
	v7 =	vmov v19  }
0x127: {  	v16 =	vmul.f32 v21, v18;
	v17 =	vmul.f32 v9, v18;
	v8 =	vld [tilespmem:s1+$0x159B0]  }
0x128: {  	v19 =	vmul.f32 v11, v18;
	v9 =	vld [tilespmem:s1+$0x16DB0];
	[tilespmem:s17+$0x18180] =	vst v14;
	v14 =	vmul.f32 v10, v18  }
0x129: {  	v20 =	vmul.f32 v12, v18;
	v18 =	vmul.f32 v13, v18;
	v10 =	vld [tilespmem:s1+$0x159C0];
	[tilespmem:s17+$0x18190] =	vst v15  }
0x12a: {  	v11 =	vld [tilespmem:s1+$0x16DC0];
	[tilespmem:s17+$0x181A0] =	vst v16  }
.Ltmp2:
0x12b: {  	v12 =	vld [tilespmem:s1+$0x159D0];
	[tilespmem:s17+$0x181B0] =	vst v17;
	(pc) =	sbr.rel @p0 .LBB2_7-.Ltmp2, $4  }
0x12c: {  	v13 =	vld [tilespmem:s1+$0x16DD0];
	[tilespmem:s17+$0x181C0] =	vst v14  }
0x12d: {  	v14 =	vld [tilespmem:s1+$0x159E0];
	[tilespmem:s17+$0x181D0] =	vst v19  }
0x12e: {  	v15 =	vld [tilespmem:s1+$0x16DE0];
	[tilespmem:s17+$0x181E0] =	vst v20  }
0x12f: {  	s28 =	sadd.s32 $0x200, s28;
	v16 =	vld [tilespmem:s1+$0x159F0];
	[tilespmem:s17+$0x181F0] =	vst v18;
	s17 =	smov.u32 s1  }
0x130: {  	s1 =	sadd.s32 $0x1, s22  }
0x131: {  	v17 =	vld.msk [tilespmem:s1+$0x0 ss:$0x0], $0xffff;
	_ =	sdelay $0x2  }
0x132: {  	v2 =	vmul.f32 v2, v7;
	v61 =	vld [tilespmem:s17+$0x16DF0]  }
0x133: {  	v3 =	vmul.f32 v4, v3  }
0x134: {  	v5 =	vmul.f32 v6, v5;
	v2 =	vmul.f32 v2, v17  }
0x135: {  	v62 =	vmul.f32 v9, v8;
	v3 =	vmul.f32 v3, v17  }
0x136: {  	v63 =	vmul.f32 v11, v10;
	v5 =	vmul.f32 v5, v17;
	[tilespmem:s17+$0x18180] =	vst v2  }
0x137: {  	v4 =	vmul.f32 v61, v16;
	v6 =	vmul.f32 v62, v17;
	[tilespmem:s17+$0x18190] =	vst v3  }
0x138: {  	v7 =	vmul.f32 v63, v17;
	v2 =	vmul.f32 v13, v12;
	[tilespmem:s17+$0x181A0] =	vst v5  }
0x139: {  	v4 =	vmul.f32 v4, v17;
	v3 =	vmul.f32 v15, v14;
	[tilespmem:s17+$0x181B0] =	vst v6  }
0x13a: {  	[tilespmem:s17+$0x181C0] =	vst v7;
	v2 =	vmul.f32 v2, v17  }
0x13b: {  	[tilespmem:s17+$0x181F0] =	vst v4;
	v3 =	vmul.f32 v3, v17  }
0x13c: {  	[tilespmem:s17+$0x181D0] =	vst v2  }
0x13d: {  	[tilespmem:s17+$0x181E0] =	vst v3  }
0x13e: {  	[spmem:s3] =	stream.indirect.scatter.add.f32 [tilespmem:s29], [sflag:$0x6], $0x80, s16, s19, $0xb8;
	[tilespmem:$0x1D880] =	vst v63  }
0x13f: {  	_ =	swait.ge [sflag:s0], $0x1400  }
0x140: {  	[sflag:s0] =	ssyncset.done $0x0  }
0x141: {  	[sflag:s0] =	ssyncadd.s32 $0xFFFFEC00  }
0x142: {  	[spmem:s14] =	stream.indirect.scatter.add.f32 [tilespmem:s30], [sflag:$0x6], $0x1, s16, s19, $0xb8;
	[tilespmem:$0x1D880] =	vst v63  }
0x143: {  	_ =	swait.ge [sflag:s0], $0x28  }
0x144: {  	s28 =	smov.u32 s3;
	s3 =	sshll.u32 s13, $0x4;
	[sflag:s0] =	ssyncset.done $0x0  }
0x145: {  	s10 =	sadd.s32 s10, s21;
	s1 =	sadd.s32 s6, s3;
	[sflag:s0] =	ssyncadd.s32 $0xFFFFFFD8  }
0x146: {  	[tilespmem:s23], [sflag:$0x5] =	stream.linear.gather [hbm4b:s1+s5], $0x1400, $0x38;
	[tilespmem:$0x1D880] =	vst v63  }
0x147: {  	s1 =	sshrl.u32 s10, $0x3  }
0x148: {  	s13 =	sadd.s32 s8, s1  }
0x149: {  	[tilespmem:s15], [sflag:$0x2] =	stream.linear.gather [hbm4b:s13+s5], $0x28, $0x38;
	[tilespmem:$0x1D880] =	vst v63  }
0x14a: {  	s17 =	sadd.s32 s9, s1  }
0x14b: {  	[tilespmem:s16], [sflag:$0x2] =	stream.linear.gather [hbm4b:s17+s5], $0x28, $0x38;
	[tilespmem:$0x1D880] =	vst v63  }
0x14c: {  	s22 =	simm.s32 $0x14500;
	s31 =	sadd.s32 $0x1, s31;
	s1 =	sadd.s32 s7, s1  }
0x14d: {  	[tilespmem:s22], [sflag:$0x2] =	stream.linear.gather [hbm4b:s1+s5], $0x28, $0x38;
	[tilespmem:$0x1D880] =	vst v63  }
0x14e: {  	p0 =	sne.s32 s31, $0x7C;
	_ =	swait.ge [sflag:s24], $0x1400  }
.Ltmp3:
0x14f: {  	[sflag:s24] =	ssyncset.done $0x0;
	(pc) =	sbr.rel @p0 .LBB2_4-.Ltmp3, $4  }
0x150: {  	[sflag:s24] =	ssyncadd.s32 $0xFFFFEC00  }
0x151: {  	_ =	swait.ge [sflag:s25], $0x1400  }
0x152: {  	[sflag:s25] =	ssyncset.done $0x0  }
0x153: {  	s1 =	smov.u32 s2;
	[sflag:s25] =	ssyncadd.s32 $0xFFFFEC00  }
0x154: {  	_ =	swait.ge [sflag:s26], $0x28  }
0x155: {  	[sflag:s26] =	ssyncset.done $0x0  }
0x156: {  	[sflag:s26] =	ssyncadd.s32 $0xFFFFFFD8  }
0x157: {  	_ =	swait.ge [sflag:s26], $0x28  }
0x158: {  	[sflag:s26] =	ssyncset.done $0x0  }
0x159: {  	[sflag:s26] =	ssyncadd.s32 $0xFFFFFFD8  }
0x15a: {  	_ =	swait.ge [sflag:s26], $0x28  }
0x15b: {  	[sflag:s26] =	ssyncset.done $0x0  }
0x15c: {  	s3 =	simm.s32 $0x15980;
	s31 =	simm.s32 $0x0;
	[sflag:s26] =	ssyncadd.s32 $0xFFFFFFD8  }
0x15d: {  	[tilespmem:s3], [sflag:$0x4] =	stream.indirect.gather [hbm4b:s1+s19], $0x80, s15, s19, $0xb8;
	[tilespmem:$0x1D880] =	vst v63  }
0x15e: {  	v5 =	vld [tilespmem:s31+$0x14580]  }
0x15f: {  	v6 =	vld [tilespmem:s31+$0x16D80]  }
0x160: {  	v8 =	vld [tilespmem:s31+$0x14590]  }
0x161: {  	v9 =	vld [tilespmem:s31+$0x16D90]  }
0x162: {  	v10 =	vld [tilespmem:s31+$0x145A0]  }
0x163: {  	v11 =	vld [tilespmem:s31+$0x16DA0]  }
0x164: {  	v12 =	vld [tilespmem:s31+$0x145B0]  }
0x165: {  	v13 =	vld [tilespmem:s31+$0x16DB0]  }
0x166: {  	v14 =	vld [tilespmem:s31+$0x145C0]  }
0x167: {  	v15 =	vld [tilespmem:s31+$0x16DC0]  }
0x168: {  	v16 =	vld [tilespmem:s31+$0x145D0]  }
0x169: {  	v17 =	vld [tilespmem:s31+$0x16DD0]  }
0x16a: {  	s13 =	simm.s32 $0x14480;
	v18 =	vld [tilespmem:s31+$0x145E0]  }
0x16b: {  	s10 =	simm.s32 $0x80;
	v19 =	vld.msk [tilespmem:s13+$0x0 ss:$0x0], $0xffff  }
0x16c: {  	v7 =	vld [tilespmem:s10+$0x14580]  }
0x16d: {  	v2 =	vld [tilespmem:s10+$0x16D80]  }
0x16e: {  	v3 =	vld [tilespmem:s10+$0x14590]  }
0x16f: {  	v4 =	vld [tilespmem:s10+$0x16D90]  }
0x170: {  	v22 =	vld [tilespmem:s31+$0x16DE0]  }
0x171: {  	v62 =	vld [tilespmem:s31+$0x145F0]  }
0x172: {  	v20 =	vmul.f32 v6, v5;
	v5 =	vld [tilespmem:s10+$0x145A0]  }
0x173: {  	v6 =	vld [tilespmem:s10+$0x16DA0];
	v21 =	vmul.f32 v9, v8;
	v11 =	vmul.f32 v11, v10  }
0x174: {  	v14 =	vmul.f32 v15, v14;
	v15 =	vld [tilespmem:s31+$0x16DF0];
	v20 =	vmul.f32 v20, v19  }
0x175: {  	v8 =	vld [tilespmem:s10+$0x145B0];
	v12 =	vmul.f32 v13, v12;
	v21 =	vmul.f32 v21, v19  }
0x176: {  	v9 =	vld [tilespmem:s10+$0x16DB0];
	v13 =	vmul.f32 v11, v19;
	[tilespmem:s31+$0x18180] =	vst v20  }
0x177: {  	v16 =	vmul.f32 v17, v16;
	v63 =	vmul.f32 v12, v19;
	v10 =	vld [tilespmem:s10+$0x145C0];
	[tilespmem:s31+$0x18190] =	vst v21  }
0x178: {  	v17 =	vmul.f32 v22, v18;
	v14 =	vmul.f32 v14, v19;
	v11 =	vld [tilespmem:s10+$0x16DC0];
	[tilespmem:s31+$0x181A0] =	vst v13  }
0x179: {  	v16 =	vmul.f32 v16, v19;
	v18 =	vmul.f32 v15, v62;
	v12 =	vld [tilespmem:s10+$0x145D0];
	[tilespmem:s31+$0x181B0] =	vst v63  }
0x17a: {  	v17 =	vmul.f32 v17, v19;
	v13 =	vld [tilespmem:s10+$0x16DD0];
	[tilespmem:s31+$0x181C0] =	vst v14  }
0x17b: {  	v18 =	vmul.f32 v18, v19;
	v14 =	vld [tilespmem:s10+$0x145E0];
	[tilespmem:s31+$0x181D0] =	vst v16  }
0x17c: {  	v15 =	vld [tilespmem:s10+$0x16DE0];
	[tilespmem:s31+$0x181E0] =	vst v17  }
0x17d: {  	s17 =	simm.s32 $0x400;
	v16 =	vld [tilespmem:s10+$0x145F0];
	[tilespmem:s31+$0x181F0] =	vst v18  }
.LBB2_10:
0x17e: {  	p0 =	sne.s32 s17, $0x4E00;
	v17 =	vld [tilespmem:s10+$0x16DF0];
	s13 =	sadd.s32 $0x1, s13  }
0x17f: {  	s1 =	sshra.s32 s17, $0x2;
	v18 =	vld.msk [tilespmem:s13+$0x0 ss:$0x0], $0xffff  }
0x180: {  	v19 =	vld [tilespmem:s1+$0x14580]  }
0x181: {  	v7 =	vmul.f32 v2, v7;
	v20 =	vmul.f32 v4, v3;
	v2 =	vld [tilespmem:s1+$0x16D80]  }
0x182: {  	v21 =	vmul.f32 v6, v5;
	v9 =	vmul.f32 v9, v8;
	v3 =	vld [tilespmem:s1+$0x14590]  }
0x183: {  	v10 =	vmul.f32 v11, v10;
	v11 =	vmul.f32 v13, v12;
	v4 =	vld [tilespmem:s1+$0x16D90]  }
0x184: {  	v12 =	vmul.f32 v15, v14;
	v13 =	vmul.f32 v17, v16;
	v5 =	vld [tilespmem:s1+$0x145A0]  }
0x185: {  	v14 =	vmul.f32 v7, v18;
	v15 =	vmul.f32 v20, v18;
	v6 =	vld [tilespmem:s1+$0x16DA0];
	v7 =	vmov v19  }
0x186: {  	v16 =	vmul.f32 v21, v18;
	v17 =	vmul.f32 v9, v18;
	v8 =	vld [tilespmem:s1+$0x145B0]  }
0x187: {  	v19 =	vmul.f32 v11, v18;
	v9 =	vld [tilespmem:s1+$0x16DB0];
	[tilespmem:s10+$0x18180] =	vst v14;
	v14 =	vmul.f32 v10, v18  }
0x188: {  	v20 =	vmul.f32 v12, v18;
	v18 =	vmul.f32 v13, v18;
	v10 =	vld [tilespmem:s1+$0x145C0];
	[tilespmem:s10+$0x18190] =	vst v15  }
0x189: {  	v11 =	vld [tilespmem:s1+$0x16DC0];
	[tilespmem:s10+$0x181A0] =	vst v16  }
.Ltmp4:
0x18a: {  	v12 =	vld [tilespmem:s1+$0x145D0];
	[tilespmem:s10+$0x181B0] =	vst v17;
	(pc) =	sbr.rel @p0 .LBB2_10-.Ltmp4, $4  }
0x18b: {  	v13 =	vld [tilespmem:s1+$0x16DD0];
	[tilespmem:s10+$0x181C0] =	vst v14  }
0x18c: {  	v14 =	vld [tilespmem:s1+$0x145E0];
	[tilespmem:s10+$0x181D0] =	vst v19  }
0x18d: {  	v15 =	vld [tilespmem:s1+$0x16DE0];
	[tilespmem:s10+$0x181E0] =	vst v20  }
0x18e: {  	s17 =	sadd.s32 $0x200, s17;
	v16 =	vld [tilespmem:s1+$0x145F0];
	[tilespmem:s10+$0x181F0] =	vst v18;
	s10 =	smov.u32 s1  }
0x18f: {  	s1 =	sadd.s32 $0x1, s13  }
0x190: {  	v17 =	vld.msk [tilespmem:s1+$0x0 ss:$0x0], $0xffff;
	_ =	sdelay $0x2  }
0x191: {  	v2 =	vmul.f32 v2, v7;
	v3 =	vmul.f32 v4, v3;
	v4 =	vld [tilespmem:s10+$0x16DF0];
	_ =	sdelay $0x1  }
0x192: {  	v5 =	vmul.f32 v6, v5;
	v2 =	vmul.f32 v2, v17  }
0x193: {  	v6 =	vmul.f32 v9, v8;
	v3 =	vmul.f32 v3, v17  }
0x194: {  	v7 =	vmul.f32 v11, v10;
	v5 =	vmul.f32 v5, v17;
	[tilespmem:s10+$0x18180] =	vst v2  }
0x195: {  	v4 =	vmul.f32 v4, v16;
	v6 =	vmul.f32 v6, v17;
	[tilespmem:s10+$0x18190] =	vst v3  }
0x196: {  	v7 =	vmul.f32 v7, v17;
	v2 =	vmul.f32 v13, v12;
	[tilespmem:s10+$0x181A0] =	vst v5  }
0x197: {  	v4 =	vmul.f32 v4, v17;
	v3 =	vmul.f32 v15, v14;
	[tilespmem:s10+$0x181B0] =	vst v6  }
0x198: {  	[tilespmem:s10+$0x181C0] =	vst v7;
	v2 =	vmul.f32 v2, v17  }
0x199: {  	[tilespmem:s10+$0x181F0] =	vst v4;
	v3 =	vmul.f32 v3, v17  }
0x19a: {  	[tilespmem:s10+$0x181D0] =	vst v2  }
0x19b: {  	[tilespmem:s10+$0x181E0] =	vst v3  }
0x19c: {  	[spmem:s28] =	stream.indirect.scatter.add.f32 [tilespmem:s29], [sflag:$0x6], $0x80, s12, s19, $0xb8;
	[tilespmem:$0x1D880] =	vst v63  }
0x19d: {  	_ =	swait.ge [sflag:s0], $0x1400  }
0x19e: {  	[sflag:s0] =	ssyncset.done $0x0  }
0x19f: {  	[sflag:s0] =	ssyncadd.s32 $0xFFFFEC00  }
0x1a0: {  	[spmem:s14] =	stream.indirect.scatter.add.f32 [tilespmem:s30], [sflag:$0x6], $0x1, s12, s19, $0xb8;
	[tilespmem:$0x1D880] =	vst v63  }
0x1a1: {  	_ =	swait.ge [sflag:s0], $0x28  }
0x1a2: {  	[sflag:s0] =	ssyncset.done $0x0  }
0x1a3: {  	s22 =	simm.s32 $0x0;
	s3 =	rddreg [dreg:$0xf];
	[sflag:s0] =	ssyncadd.s32 $0xFFFFFFD8  }
0x1a4: {  	[tilespmem:s23], [sflag:$0x5] =	stream.linear.gather [hbm4b:s3+s22], $0x1400, $0x38;
	[tilespmem:$0x1D880] =	vst v63  }
0x1a5: {  	_ =	swait.ge [sflag:s11], $0x1400  }
0x1a6: {  	[sflag:s11] =	ssyncset.done $0x0  }
0x1a7: {  	[sflag:s11] =	ssyncadd.s32 $0xFFFFEC00  }
0x1a8: {  	_ =	swait.ge [sflag:s25], $0x1400  }
0x1a9: {  	[sflag:s25] =	ssyncset.done $0x0  }
0x1aa: {  	s31 =	simm.s32 $0x0;
	[sflag:s25] =	ssyncadd.s32 $0xFFFFEC00  }
0x1ab: {  	v5 =	vld [tilespmem:s31+$0x15980]  }
0x1ac: {  	v6 =	vld [tilespmem:s31+$0x16D80]  }
0x1ad: {  	v8 =	vld [tilespmem:s31+$0x15990]  }
0x1ae: {  	v9 =	vld [tilespmem:s31+$0x16D90]  }
0x1af: {  	v10 =	vld [tilespmem:s31+$0x159A0]  }
0x1b0: {  	v11 =	vld [tilespmem:s31+$0x16DA0]  }
0x1b1: {  	v12 =	vld [tilespmem:s31+$0x159B0]  }
0x1b2: {  	v13 =	vld [tilespmem:s31+$0x16DB0]  }
0x1b3: {  	v14 =	vld [tilespmem:s31+$0x159C0]  }
0x1b4: {  	v15 =	vld [tilespmem:s31+$0x16DC0]  }
0x1b5: {  	v16 =	vld [tilespmem:s31+$0x159D0]  }
0x1b6: {  	v17 =	vld [tilespmem:s31+$0x16DD0]  }
0x1b7: {  	s13 =	simm.s32 $0x14500;
	v18 =	vld [tilespmem:s31+$0x159E0]  }
0x1b8: {  	s10 =	simm.s32 $0x80;
	v19 =	vld.msk [tilespmem:s13+$0x0 ss:$0x0], $0xffff  }
0x1b9: {  	v7 =	vld [tilespmem:s10+$0x15980]  }
0x1ba: {  	v2 =	vld [tilespmem:s10+$0x16D80]  }
0x1bb: {  	v3 =	vld [tilespmem:s10+$0x15990]  }
0x1bc: {  	v4 =	vld [tilespmem:s10+$0x16D90]  }
0x1bd: {  	v22 =	vld [tilespmem:s31+$0x16DE0]  }
0x1be: {  	v62 =	vld [tilespmem:s31+$0x159F0]  }
0x1bf: {  	v20 =	vmul.f32 v6, v5;
	v5 =	vld [tilespmem:s10+$0x159A0]  }
0x1c0: {  	v6 =	vld [tilespmem:s10+$0x16DA0];
	v21 =	vmul.f32 v9, v8;
	v11 =	vmul.f32 v11, v10  }
0x1c1: {  	v14 =	vmul.f32 v15, v14;
	v15 =	vld [tilespmem:s31+$0x16DF0];
	v20 =	vmul.f32 v20, v19  }
0x1c2: {  	v8 =	vld [tilespmem:s10+$0x159B0];
	v12 =	vmul.f32 v13, v12;
	v21 =	vmul.f32 v21, v19  }
0x1c3: {  	v9 =	vld [tilespmem:s10+$0x16DB0];
	v13 =	vmul.f32 v11, v19;
	[tilespmem:s31+$0x18180] =	vst v20  }
0x1c4: {  	v16 =	vmul.f32 v17, v16;
	v63 =	vmul.f32 v12, v19;
	v10 =	vld [tilespmem:s10+$0x159C0];
	[tilespmem:s31+$0x18190] =	vst v21  }
0x1c5: {  	v17 =	vmul.f32 v22, v18;
	v14 =	vmul.f32 v14, v19;
	v11 =	vld [tilespmem:s10+$0x16DC0];
	[tilespmem:s31+$0x181A0] =	vst v13  }
0x1c6: {  	v16 =	vmul.f32 v16, v19;
	v18 =	vmul.f32 v15, v62;
	v12 =	vld [tilespmem:s10+$0x159D0];
	[tilespmem:s31+$0x181B0] =	vst v63  }
0x1c7: {  	v17 =	vmul.f32 v17, v19;
	v13 =	vld [tilespmem:s10+$0x16DD0];
	[tilespmem:s31+$0x181C0] =	vst v14  }
0x1c8: {  	v18 =	vmul.f32 v18, v19;
	v14 =	vld [tilespmem:s10+$0x159E0];
	[tilespmem:s31+$0x181D0] =	vst v16  }
0x1c9: {  	v15 =	vld [tilespmem:s10+$0x16DE0];
	[tilespmem:s31+$0x181E0] =	vst v17  }
0x1ca: {  	s17 =	simm.s32 $0x400;
	s3 =	rddreg [dreg:$0x5];
	v16 =	vld [tilespmem:s10+$0x159F0];
	[tilespmem:s31+$0x181F0] =	vst v18  }
.LBB2_12:
0x1cb: {  	p0 =	sne.s32 s17, $0x4E00;
	v17 =	vld [tilespmem:s10+$0x16DF0];
	s13 =	sadd.s32 $0x1, s13  }
0x1cc: {  	s1 =	sshra.s32 s17, $0x2;
	v18 =	vld.msk [tilespmem:s13+$0x0 ss:$0x0], $0xffff  }
0x1cd: {  	v19 =	vld [tilespmem:s1+$0x15980]  }
0x1ce: {  	v7 =	vmul.f32 v2, v7;
	v20 =	vmul.f32 v4, v3;
	v2 =	vld [tilespmem:s1+$0x16D80]  }
0x1cf: {  	v21 =	vmul.f32 v6, v5;
	v9 =	vmul.f32 v9, v8;
	v3 =	vld [tilespmem:s1+$0x15990]  }
0x1d0: {  	v10 =	vmul.f32 v11, v10;
	v11 =	vmul.f32 v13, v12;
	v4 =	vld [tilespmem:s1+$0x16D90]  }
0x1d1: {  	v12 =	vmul.f32 v15, v14;
	v13 =	vmul.f32 v17, v16;
	v5 =	vld [tilespmem:s1+$0x159A0]  }
0x1d2: {  	v14 =	vmul.f32 v7, v18;
	v15 =	vmul.f32 v20, v18;
	v6 =	vld [tilespmem:s1+$0x16DA0];
	v7 =	vmov v19  }
0x1d3: {  	v16 =	vmul.f32 v21, v18;
	v17 =	vmul.f32 v9, v18;
	v8 =	vld [tilespmem:s1+$0x159B0]  }
0x1d4: {  	v19 =	vmul.f32 v11, v18;
	v9 =	vld [tilespmem:s1+$0x16DB0];
	[tilespmem:s10+$0x18180] =	vst v14;
	v14 =	vmul.f32 v10, v18  }
0x1d5: {  	v20 =	vmul.f32 v12, v18;
	v18 =	vmul.f32 v13, v18;
	v10 =	vld [tilespmem:s1+$0x159C0];
	[tilespmem:s10+$0x18190] =	vst v15  }
0x1d6: {  	v11 =	vld [tilespmem:s1+$0x16DC0];
	[tilespmem:s10+$0x181A0] =	vst v16  }
.Ltmp5:
0x1d7: {  	v12 =	vld [tilespmem:s1+$0x159D0];
	[tilespmem:s10+$0x181B0] =	vst v17;
	(pc) =	sbr.rel @p0 .LBB2_12-.Ltmp5, $4  }
0x1d8: {  	v13 =	vld [tilespmem:s1+$0x16DD0];
	[tilespmem:s10+$0x181C0] =	vst v14  }
0x1d9: {  	v14 =	vld [tilespmem:s1+$0x159E0];
	[tilespmem:s10+$0x181D0] =	vst v19  }
0x1da: {  	v15 =	vld [tilespmem:s1+$0x16DE0];
	[tilespmem:s10+$0x181E0] =	vst v20  }
0x1db: {  	s17 =	sadd.s32 $0x200, s17;
	v16 =	vld [tilespmem:s1+$0x159F0];
	[tilespmem:s10+$0x181F0] =	vst v18;
	s10 =	smov.u32 s1  }
0x1dc: {  	s1 =	sadd.s32 $0x1, s13  }
0x1dd: {  	v17 =	vld.msk [tilespmem:s1+$0x0 ss:$0x0], $0xffff;
	_ =	sdelay $0x2  }
0x1de: {  	v2 =	vmul.f32 v2, v7;
	v61 =	vld [tilespmem:s10+$0x16DF0]  }
0x1df: {  	v3 =	vmul.f32 v4, v3  }
0x1e0: {  	v5 =	vmul.f32 v6, v5;
	v2 =	vmul.f32 v2, v17  }
0x1e1: {  	v62 =	vmul.f32 v9, v8;
	v3 =	vmul.f32 v3, v17  }
0x1e2: {  	v63 =	vmul.f32 v11, v10;
	v5 =	vmul.f32 v5, v17;
	[tilespmem:s10+$0x18180] =	vst v2  }
0x1e3: {  	v4 =	vmul.f32 v61, v16;
	v6 =	vmul.f32 v62, v17;
	[tilespmem:s10+$0x18190] =	vst v3  }
0x1e4: {  	v7 =	vmul.f32 v63, v17;
	v2 =	vmul.f32 v13, v12;
	[tilespmem:s10+$0x181A0] =	vst v5  }
0x1e5: {  	v4 =	vmul.f32 v4, v17;
	v3 =	vmul.f32 v15, v14;
	[tilespmem:s10+$0x181B0] =	vst v6  }
0x1e6: {  	[tilespmem:s10+$0x181C0] =	vst v7;
	v2 =	vmul.f32 v2, v17  }
0x1e7: {  	[tilespmem:s10+$0x181F0] =	vst v4;
	v3 =	vmul.f32 v3, v17  }
0x1e8: {  	[tilespmem:s10+$0x181D0] =	vst v2  }
0x1e9: {  	[tilespmem:s10+$0x181E0] =	vst v3  }
0x1ea: {  	[spmem:s28] =	stream.indirect.scatter.add.f32 [tilespmem:s29], [sflag:$0x6], $0x80, s16, s19, $0xb8;
	[tilespmem:$0x1D880] =	vst v63  }
0x1eb: {  	_ =	swait.ge [sflag:s0], $0x1400  }
0x1ec: {  	[sflag:s0] =	ssyncset.done $0x0  }
0x1ed: {  	[sflag:s0] =	ssyncadd.s32 $0xFFFFEC00  }
0x1ee: {  	[spmem:s14] =	stream.indirect.scatter.add.f32 [tilespmem:s30], [sflag:$0x6], $0x1, s16, s19, $0xb8;
	[tilespmem:$0x1D880] =	vst v63  }
0x1ef: {  	_ =	swait.ge [sflag:s0], $0x28  }
0x1f0: {  	[sflag:s0] =	ssyncset.done $0x0  }
0x1f1: {  	s10 =	stileid.u32;
	[sflag:s0] =	ssyncadd.s32 $0xFFFFFFD8  }
0x1f2: {  	s1 =	sshll.u32 s10, $0x6;
	[bflag:$0x0] =	sbarrier.arrive $0xFFFF  }
0x1f3: {  	s13 =	sshrl.u32 s3, $0x3;
	s1 =	sor.u32 $0x1C06, s1;
	s17 =	rddreg [dreg:$0x10]  }
0x1f4: {  	[hbm:s17], [sflag:s1] =	dma.local [spmem:s13], $0x2800  }
0x1f5: {  	s22 =	simm.s32 $0x20;
	_ =	swait.ge [sflag:s0], $0x2800  }
0x1f6: {  	s31 =	simm.s32 $0x10;
	[sflag:s0] =	ssyncset.done $0x0;
	s17 =	rddreg [dreg:$0x6]  }
0x1f7: {  	s13 =	rddreg [dreg:$0x11];
	[sflag:s0] =	ssyncadd.s32 $0xFFFFD800;
	s10 =	sshrl.u32 s17, $0x3  }
0x1f8: {  	[hbm:s13@s22], [sflag:s1] =	dma.strided [spmem:s10@s31], $0x50, s18, $0x10   }
0x1f9: {  	_ =	swait.ge [sflag:s0], $0x50  }
0x1fa: {  	s22 =	rddreg [dreg:$0x17]  }
0x1fb: {  	s31 =	rddreg [dreg:$0x12];
	s10 =	sadd.s32 $0x1, s22  }
0x1fc: {  	p0 =	sne.s32 s10, s31  }
.Ltmp6:
0x1fd: {  	_ = 	snop;
	(pc) =	sbr.rel @p0 .LBB2_1-.Ltmp6, $3  }
0x1fe: {  	_ =	sdelay $0x1  }
0x1ff: {  	[sflag:s0] =	ssyncset.done $0x0  }
0x200: {  	s1 =	smov.u32 s2;
	[sflag:s0] =	ssyncadd.s32 $0xFFFFFFB0  }
0x201: {  	_ =	sfence.sel $0x180000  }
0x202: {  	[bflag:$0x0] =	sbarrier.arrive $0xFFFF  }
0x203: {  	_ =	strace $0x90000047  }
0x204: {  	s0 =	stileid.u32;
	[bflag:$0x2] =	sbarrier.arrive $0xFFFF  }
0x205: {  	p0 =	sne.s32 s0, $0x0;
	s0 =	rddreg [dreg:$0x4]  }
0x206: {  	s0 =	sadd.s32 @!p0 $0x100000, s0  }
0x207: {  	[sflag:s0] =	ssyncadd.tile.s32 @!p0 $0x1;
	_ =	shalt  }
.Lfunc_end2:
_tile_overlayer_lowered:
.L_overlay_start_2:
0x208: {  	(tag) =	ssettag $0x2  }
0x209: {  	s0 =	rddreg [dreg:$0x0];
	s2 =	stileid.u32  }
0x20a: {  	s1 =	rddreg [dreg:$0x1];
	p0 =	sne.s32 s2, $0x0  }
0x20b: {  	s3 =	rddreg [dreg:$0x2];
	[bflag:$0x3] =	sbarrier.arrive $0xFFFF;
	s2 =	simm.s32 @!p0 $0x1C06  }
0x20c: {  	[timem:s3], [sflag:s2] =	dma.local @!p0 [hbm:s0], s1  }
0x20d: {  	s0 =	simm.s32 @!p0 $0x6  }
0x20e: {  	_ =	swait.ge @!p0 [sflag:s0], s1  }
0x20f: {  	s1 =	ssub.s32 @!p0 $0x0, s1;
	[sflag:s0] =	ssyncset.done @!p0 $0x0  }
0x210: {  	[sflag:s0] =	ssyncadd.s32 @!p0 s1  }
0x211: {  	[bflag:$0x3] =	sbarrier.arrive $0xFFFF  }
0x212: {  	_ =	shalt  }

</sc_bundles>
